<compile_context>
chip_gen: v7x
topology: tpu7x:2x2x1
jax: 0.10.2.dev20260603
libtpu: 0.0.44.dev20260713+nightly
codegen_flags: <defaults>
</compile_context>

<pallas_src>
import functools

import jax
import jax.numpy as jnp
from jax import lax
from jax.experimental import pallas as pl
from jax.experimental.pallas import tpu as pltpu
from jax.experimental.pallas import tpu_sc as plsc

_QP = 128
_BIG = float(2.0 ** 25)
_NEGZERO_BITS = -2147483648


def _canon_bits(v):
    b = lax.bitcast_convert_type(v, jnp.int32)
    return jnp.where(b == _NEGZERO_BITS, 0, b)


def _planes_f32(bits):
    return [((bits >> s) & 255).astype(jnp.float32) for s in (0, 8, 16, 24)]


def _match_body(xt_ref, x_ref, out_ref, minacc, fq_s, *, n_valid, bn,
                nblocks):
    i = pl.program_id(0)

    @pl.when(i == 0)
    def _enc_queries():
        qbits = _canon_bits(x_ref[...])
        qf = _planes_f32(qbits)
        qsq = qf[0] * qf[0] + qf[1] * qf[1] + qf[2] * qf[2] + qf[3] * qf[3]
        nf = jnp.sum(qsq, axis=1, keepdims=True).astype(jnp.int32)
        nfb = [((nf >> s) & 255).astype(jnp.float32) for s in (0, 8, 16)]
        qones = jnp.ones((_QP, 1), jnp.float32)
        fq_s[...] = jnp.concatenate(
            [(2.0 * p).astype(jnp.bfloat16) for p in qf]
            + [(-qones).astype(jnp.bfloat16),
               (-256.0 * qones).astype(jnp.bfloat16),
               (-65536.0 * qones).astype(jnp.bfloat16)]
            + [(-b).astype(jnp.bfloat16) for b in nfb],
            axis=1)

    bits = _canon_bits(xt_ref[...])
    pf = _planes_f32(bits)
    sq = pf[0] * pf[0] + pf[1] * pf[1] + pf[2] * pf[2] + pf[3] * pf[3]
    na = jnp.sum(sq, axis=0, keepdims=True).astype(jnp.int32)
    nab = [((na >> s) & 255).astype(jnp.float32) for s in (0, 8, 16)]
    ones = jnp.ones((1, bn), jnp.float32)
    et = jnp.concatenate(
        [p.astype(jnp.bfloat16) for p in pf]
        + [b.astype(jnp.bfloat16) for b in nab]
        + [ones.astype(jnp.bfloat16), (ones * 256.0).astype(jnp.bfloat16),
           (ones * 65536.0).astype(jnp.bfloat16)],
        axis=0)

    t = lax.dot_general(fq_s[...], et, (((1,), (0,)), ((), ())),
                        preferred_element_type=jnp.float32)
    iota128 = lax.broadcasted_iota(jnp.int32, (1, 128), 1).astype(jnp.float32)
    base = (i * bn).astype(jnp.float32)
    part = None
    for j in range(bn // 128):
        sl = t[:, j * 128:(j + 1) * 128]
        candj = jnp.where(sl == 0.0, iota128 + (base + float(j * 128)), _BIG)
        part = candj if part is None else jnp.minimum(part, candj)

    @pl.when(i == 0)
    def _init():
        minacc[...] = part

    @pl.when(i > 0)
    def _acc():
        minacc[...] = jnp.minimum(minacc[...], part)

    @pl.when(i == nblocks - 1)
    def _fin():
        m = jnp.min(minacc[...], axis=1)
        idx = jnp.where(m < float(n_valid), m, 0.0).astype(jnp.int32)
        out_ref[...] = jnp.broadcast_to(idx[None, :], (8, _QP))


def _find_indices(xp, xt, *, n_valid, bn, nblocks):
    d = xt.shape[0]
    body = functools.partial(_match_body, n_valid=n_valid, bn=bn,
                             nblocks=nblocks)
    return pl.pallas_call(
        body,
        grid=(nblocks,),
        in_specs=[
            pl.BlockSpec((d, bn), lambda i: (0, i)),
            pl.BlockSpec((_QP, d), lambda i: (0, 0)),
        ],
        out_specs=pl.BlockSpec((8, _QP), lambda i: (0, 0)),
        out_shape=jax.ShapeDtypeStruct((8, _QP), jnp.int32),
        scratch_shapes=[pltpu.VMEM((_QP, 128), jnp.float32),
                        pltpu.VMEM((_QP, 4 * d + 6), jnp.bfloat16)],
    )(xt, xp)


def _gather_y(idx, y_flat, m):
    k = 8
    nw = _QP // k
    mesh = plsc.VectorSubcoreMesh(core_axis_name="c", subcore_axis_name="s")
    nc = mesh.num_cores

    @functools.partial(
        pl.kernel,
        out_type=jax.ShapeDtypeStruct((_QP * m,), jnp.float32),
        mesh=mesh,
        scratch_types=[
            pltpu.VMEM((k,), jnp.int32),
            pltpu.VMEM((16,), jnp.int32),
            pltpu.VMEM((m * k,), jnp.float32),
            pltpu.SemaphoreType.DMA,
        ],
        compiler_params=pltpu.CompilerParams(use_tc_tiling_on_sc=False,
                                             needs_layout_passes=False),
    )
    def sc_gather(idx_hbm, y_hbm, out_hbm, idx_v, e_v, out_v, sem):
        wid = lax.axis_index("s") * nc + lax.axis_index("c")

        @pl.when(wid < nw)
        def _():
            base = wid * k
            pltpu.sync_copy(idx_hbm.at[0, pl.ds(base, k)], idx_v)
            iota = lax.iota(jnp.int32, 16)
            qv = plsc.load_gather(idx_v, [iota >> 1])
            e_v[...] = qv * m + (iota & 1)
            pltpu.async_copy(y_hbm.at[e_v], out_v, sem).wait()
            pltpu.sync_copy(out_v, out_hbm.at[pl.ds(base * m, m * k)])

    return sc_gather(idx, y_flat)


def kernel(X, data_x, data_y):
    batch = X.ndim > 1
    xb = X if batch else X[None, :]
    q, d = xb.shape
    n = data_x.shape[0]

    xp = jnp.pad(xb, ((0, _QP - q), (0, 0)))

    nblocks = 8
    bn = -(-n // (128 * nblocks)) * 128
    npad = bn * nblocks
    xt = jnp.pad(data_x.T, ((0, 0), (0, npad - n)))

    idx8 = _find_indices(xp, xt, n_valid=n, bn=bn, nblocks=nblocks)
    m = data_y.shape[1]
    y = _gather_y(idx8, data_y.reshape(-1), m).reshape(_QP, m)

    f = y[:q].astype(jnp.float32)
    return f if batch else f[0]

# --- scband reference (transcript-rebuilt; emitter-appended) ---
"""Pipeline reference for scband-design-space-problem-24086176596512 (READ-ONLY COPY).

The authoritative reference and input builder live on the scoring server;
editing this copy changes nothing except your own understanding.
"""

import jax, jax.numpy as jnp
import numpy as np

N = 100000  # n_sample (dataset rows)
D = 16      # n_dim (design vector length)
M = 2       # num objectives (perf, power)
Q = 128     # query batch


def setup_inputs(seed: int = 0) -> dict:
    key = jax.random.key(seed)
    k1, k2, k3 = jax.random.split(key, 3)
    # dataset buffers (loaded from disk in the original module via load_dataset)
    data_x = jax.random.normal(k1, (N, D), dtype=jnp.float32)
    data_y = jax.random.normal(k2, (N, M), dtype=jnp.float32)
    # queries are exact rows of the dataset (offline mode does exact-match lookup)
    idx = jax.random.randint(k3, (Q,), 0, N)
    X = data_x[idx]
    return {"X": X, "data_x": data_x, "data_y": data_y}


def reference(X, data_x, data_y):
    # DesignSpaceProblem.forward -> evaluate_true (offline branch), noise_std=None, negate=False
    batch = X.ndim > 1
    Xb = X if batch else X[None, :]
    # (self.x.t() == x.unsqueeze(-1)) : [Q, D, N] broadcast compare
    eq = (data_x.T[None, :, :] == Xb[:, :, None])
    # .all(dim=1).int() : [Q, N]
    match = jnp.all(eq, axis=1).astype(jnp.int32)
    # torch.topk(..., 1, 1) -> indices of best match per query
    _, indices = jax.lax.top_k(match, 1)  # [Q, 1]
    # self.y[indices].to(float32).squeeze()
    f = data_y[indices].astype(jnp.float32)  # [Q, 1, M]
    f = jnp.squeeze(f, axis=1)  # [Q, M]
    return f if batch else jnp.squeeze(f, axis=0)

if __name__ == "__main__":
    import jax
    _d = setup_inputs()
    print(jax.jit(kernel)(*tuple(_d.values())))

</pallas_src>

<mosaic_0001>
#map = affine_map<(d0, d1) -> (0, 0)>
#map1 = affine_map<(d0, d1) -> (0)>
module attributes {stable_mosaic.version = 14 : i64} {
  func.func @sc_gather(%arg0: i32, %arg1: i32, %arg2: memref<8x128xi32, #tpu.memory_space<hbm>>, %arg3: memref<200000xf32, #tpu.memory_space<hbm>>, %arg4: memref<256xf32, #tpu.memory_space<hbm>>, %arg5: memref<8xi32, #tpu.memory_space<vmem>>, %arg6: memref<16xi32, #tpu.memory_space<vmem>>, %arg7: memref<16xf32, #tpu.memory_space<vmem>>, %arg8: memref<!tpu.dma_semaphore, #tpu.memory_space<semaphore_mem>>) attributes {dimension_semantics = [#tpu.dimension_semantics<core_parallel>, #tpu.dimension_semantics<subcore_parallel>], iteration_bounds = array<i64: 2, 16>, scalar_prefetch = 0 : i64, scratch_operands = 4 : i64, tpu.core_type = #tpu.core_type<sc_vector_subcore>, window_params = [{transform_indices = #map}, {transform_indices = #map1}, {transform_indices = #map1}]} {
    %mul3A = arith.constant 2 : i32
    %mul3A_0 = arith.muli %arg1, %mul3A : i32
    %add3A = arith.addi %mul3A_0, %arg0 : i32
    %lt3A = arith.constant 16 : i32
    %lt3A_1 = arith.cmpi slt, %add3A, %lt3A : i32
    %convert_element_type3A = arith.extui %lt3A_1 : i1 to i32
    %cond3A = arith.constant 0 : i32
    %cond3A_2 = arith.cmpi ne, %convert_element_type3A, %cond3A : i32
    scf.if %cond3A_2 {
      %mul3A_3 = arith.constant 8 : i32
      %mul3A_4 = arith.muli %add3A, %mul3A_3 : i32
      %run_scoped3A = arith.constant 0 : i32
      "tpu.region"() ({
        %run_scoped3A_18 = tpu.sem_alloc : memref<!tpu.dma_semaphore, #tpu.memory_space<semaphore_mem>>
        %dma_start3A_19 = tpu.memref_slice %arg2[%run_scoped3A, %mul3A_4] : memref<8x128xi32, #tpu.memory_space<hbm>> -> memref<1x8xi32, #tpu.memory_space<hbm>>
        %dma_start3A_20 = tpu.memref_squeeze %dma_start3A_19 : memref<1x8xi32, #tpu.memory_space<hbm>> -> memref<8xi32, #tpu.memory_space<hbm>>
        %dma_start3A_21 = tpu.memref_slice %arg2[%run_scoped3A, %mul3A_4] : memref<8x128xi32, #tpu.memory_space<hbm>> -> memref<1x8xi32, #tpu.memory_space<hbm>>
        %dma_start3A_22 = tpu.memref_squeeze %dma_start3A_21 : memref<1x8xi32, #tpu.memory_space<hbm>> -> memref<8xi32, #tpu.memory_space<hbm>>
        tpu.enqueue_dma source(%dma_start3A_22 : memref<8xi32, #tpu.memory_space<hbm>>) target(%arg5 : memref<8xi32, #tpu.memory_space<vmem>>) target_semaphore(%run_scoped3A_18 : memref<!tpu.dma_semaphore, #tpu.memory_space<semaphore_mem>>)
        %dma_wait3A_23 = tpu.memref_slice %arg2[%run_scoped3A, %mul3A_4] : memref<8x128xi32, #tpu.memory_space<hbm>> -> memref<1x8xi32, #tpu.memory_space<hbm>>
        %dma_wait3A_24 = tpu.memref_squeeze %dma_wait3A_23 : memref<1x8xi32, #tpu.memory_space<hbm>> -> memref<8xi32, #tpu.memory_space<hbm>>
        %dma_wait3A_25 = tpu.memref_slice %arg2[%run_scoped3A, %mul3A_4] : memref<8x128xi32, #tpu.memory_space<hbm>> -> memref<1x8xi32, #tpu.memory_space<hbm>>
        %dma_wait3A_26 = tpu.memref_squeeze %dma_wait3A_25 : memref<1x8xi32, #tpu.memory_space<hbm>> -> memref<8xi32, #tpu.memory_space<hbm>>
        tpu.wait_dma2 semaphore(%run_scoped3A_18 : memref<!tpu.dma_semaphore, #tpu.memory_space<semaphore_mem>>) src(%dma_wait3A_26 : memref<8xi32, #tpu.memory_space<hbm>>) dst(%arg5 : memref<8xi32, #tpu.memory_space<vmem>>)
        tpu.yield
      }) : () -> ()
      %iota3A = tpu.iota {dimensions = array<i32: 0>} : vector<16xi32>
      %shift_right_arithmetic3A = arith.constant 1 : i32
      %shift_right_arithmetic3A_5 = vector.broadcast %shift_right_arithmetic3A : i32 to vector<16xi32>
      %shift_right_arithmetic3A_6 = arith.shrsi %iota3A, %shift_right_arithmetic3A_5 : vector<16xi32>
      %gather3A = tpu.vector_load_idx %arg5[%shift_right_arithmetic3A_6] : memref<8xi32, #tpu.memory_space<vmem>>[vector<16xi32>], vector<16xi32>,
      %mul3A_7 = arith.constant 2 : i32
      %mul3A_8 = vector.broadcast %mul3A_7 : i32 to vector<16xi32>
      %mul3A_9 = arith.muli %gather3A, %mul3A_8 : vector<16xi32>
      %and3A = arith.constant 1 : i32
      %and3A_10 = vector.broadcast %and3A : i32 to vector<16xi32>
      %and3A_11 = arith.andi %iota3A, %and3A_10 : vector<16xi32>
      %add3A_12 = arith.addi %mul3A_9, %and3A_11 : vector<16xi32>
      %swap3A = arith.constant 0 : index
      %swap3A_13 = tpu.vector_load %arg6[%swap3A] {strides = array<i32>} : memref<16xi32, #tpu.memory_space<vmem>>, vector<16xi32>,
      tpu.vector_store %arg6[%swap3A], %add3A_12 {strides = array<i32>} : memref<16xi32, #tpu.memory_space<vmem>>, vector<16xi32>,
      %dma_start3A = arith.constant 0 : i32
      %dma_start3A_14 = tpu.memref_slice %arg3[%dma_start3A] : memref<200000xf32, #tpu.memory_space<hbm>> -> memref<200000xf32, #tpu.memory_space<hbm>>
      tpu.enqueue_indirect_dma source(%dma_start3A_14 : memref<200000xf32, #tpu.memory_space<hbm>>) target(%arg7 : memref<16xf32, #tpu.memory_space<vmem>>) offsets(%arg6 : memref<16xi32, #tpu.memory_space<vmem>>) semaphore(%arg8 : memref<!tpu.dma_semaphore, #tpu.memory_space<semaphore_mem>>)
      %dma_wait3A = arith.constant 0 : i32
      %dma_wait3A_15 = tpu.memref_slice %arg3[%dma_wait3A] : memref<200000xf32, #tpu.memory_space<hbm>> -> memref<200000xf32, #tpu.memory_space<hbm>>
      tpu.wait_indirect_dma semaphore(%arg8 : memref<!tpu.dma_semaphore, #tpu.memory_space<semaphore_mem>>) src(%dma_wait3A_15 : memref<200000xf32, #tpu.memory_space<hbm>>) dst(%arg7 : memref<16xf32, #tpu.memory_space<vmem>>)
      %mul3A_16 = arith.constant 2 : i32
      %mul3A_17 = arith.muli %mul3A_4, %mul3A_16 : i32
      "tpu.region"() ({
        %run_scoped3A_18 = tpu.sem_alloc : memref<!tpu.dma_semaphore, #tpu.memory_space<semaphore_mem>>
        %dma_start3A_19 = tpu.memref_slice %arg4[%mul3A_17] : memref<256xf32, #tpu.memory_space<hbm>> -> memref<16xf32, #tpu.memory_space<hbm>>
        %dma_start3A_20 = tpu.memref_slice %arg4[%mul3A_17] : memref<256xf32, #tpu.memory_space<hbm>> -> memref<16xf32, #tpu.memory_space<hbm>>
        tpu.enqueue_dma source(%arg7 : memref<16xf32, #tpu.memory_space<vmem>>) target(%dma_start3A_20 : memref<16xf32, #tpu.memory_space<hbm>>) target_semaphore(%run_scoped3A_18 : memref<!tpu.dma_semaphore, #tpu.memory_space<semaphore_mem>>)
        %dma_wait3A_21 = tpu.memref_slice %arg4[%mul3A_17] : memref<256xf32, #tpu.memory_space<hbm>> -> memref<16xf32, #tpu.memory_space<hbm>>
        %dma_wait3A_22 = tpu.memref_slice %arg4[%mul3A_17] : memref<256xf32, #tpu.memory_space<hbm>> -> memref<16xf32, #tpu.memory_space<hbm>>
        tpu.wait_dma2 semaphore(%run_scoped3A_18 : memref<!tpu.dma_semaphore, #tpu.memory_space<semaphore_mem>>) src(%arg7 : memref<16xf32, #tpu.memory_space<vmem>>) dst(%dma_wait3A_22 : memref<16xf32, #tpu.memory_space<hbm>>)
        tpu.yield
      }) : () -> ()
    } else {
    }
    return
  }
}

module attributes {stable_mosaic.version = 14 : i64} {
  func.func @_match_body(%arg0: i32, %arg1: memref<16x12544xf32, #tpu.memory_space<vmem>>, %arg2: memref<128x16xf32, #tpu.memory_space<vmem>>, %arg3: memref<8x128xi32, #tpu.memory_space<vmem>>, %arg4: memref<128x128xf32, #tpu.memory_space<vmem>>, %arg5: memref<128x70xbf16, #tpu.memory_space<vmem>>) attributes {dimension_semantics = [#tpu.dimension_semantics<arbitrary>], iteration_bounds = array<i64: 8>, scalar_prefetch = 0 : i64, scratch_operands = 2 : i64, tpu.core_type = #tpu.core_type<tc>, window_params = [{transform_indices = @transform_0, window_bounds = array<i64: 16, 12544>}, {pipeline_mode = #tpu.pipeline_mode<synchronous>, transform_indices = @transform_1, window_bounds = array<i64: 128, 16>}, {pipeline_mode = #tpu.pipeline_mode<synchronous>, transform_indices = @transform_2, window_bounds = array<i64: 8, 128>}]} {
    %eq3A = arith.constant 0 : i32
    %eq3A_0 = arith.cmpi eq, %arg0, %eq3A : i32
    %convert_element_type3A = arith.extui %eq3A_0 : i1 to i32
    %cond3A = arith.constant 0 : i32
    %cond3A_1 = arith.cmpi ne, %convert_element_type3A, %cond3A : i32
    scf.if %cond3A_1 {
      %get3A_1471 = arith.constant 0 : index
      %get3A_1472 = arith.constant 0 : index
      %get3A_1473 = vector.load %arg2[%get3A_1471, %get3A_1472] : memref<128x16xf32, #tpu.memory_space<vmem>>, vector<128x16xf32>
      %bitcast_convert_type3A_1474 = tpu.bitcast %get3A_1473 : vector<128x16xf32> -> vector<128x16xi32>
      %eq3A_1475 = arith.constant -2147483648 : i32
      %eq3A_1476 = vector.broadcast %eq3A_1475 : i32 to vector<128x16xi32>
      %eq3A_1477 = arith.cmpi eq, %bitcast_convert_type3A_1474, %eq3A_1476 : vector<128x16xi32>
      %jit3A_1478 = arith.constant 0 : i32
      %broadcast_in_dim3A_1479 = vector.broadcast %jit3A_1478 : i32 to vector<128x16xi32>
      %select_n3A_1480 = arith.select %eq3A_1477, %broadcast_in_dim3A_1479, %bitcast_convert_type3A_1474 : vector<128x16xi1>, vector<128x16xi32>
      %shift_right_arithmetic3A_1481 = arith.constant 0 : i32
      %shift_right_arithmetic3A_1482 = vector.broadcast %shift_right_arithmetic3A_1481 : i32 to vector<128x16xi32>
      %shift_right_arithmetic3A_1483 = arith.shrsi %select_n3A_1480, %shift_right_arithmetic3A_1482 : vector<128x16xi32>
      %and3A_1484 = arith.constant 255 : i32
      %and3A_1485 = vector.broadcast %and3A_1484 : i32 to vector<128x16xi32>
      %and3A_1486 = arith.andi %shift_right_arithmetic3A_1483, %and3A_1485 : vector<128x16xi32>
      %convert_element_type3A_1487 = arith.sitofp %and3A_1486 : vector<128x16xi32> to vector<128x16xf32>
      %shift_right_arithmetic3A_1488 = arith.constant 8 : i32
      %shift_right_arithmetic3A_1489 = vector.broadcast %shift_right_arithmetic3A_1488 : i32 to vector<128x16xi32>
      %shift_right_arithmetic3A_1490 = arith.shrsi %select_n3A_1480, %shift_right_arithmetic3A_1489 : vector<128x16xi32>
      %and3A_1491 = arith.constant 255 : i32
      %and3A_1492 = vector.broadcast %and3A_1491 : i32 to vector<128x16xi32>
      %and3A_1493 = arith.andi %shift_right_arithmetic3A_1490, %and3A_1492 : vector<128x16xi32>
      %convert_element_type3A_1494 = arith.sitofp %and3A_1493 : vector<128x16xi32> to vector<128x16xf32>
      %shift_right_arithmetic3A_1495 = arith.constant 16 : i32
      %shift_right_arithmetic3A_1496 = vector.broadcast %shift_right_arithmetic3A_1495 : i32 to vector<128x16xi32>
      %shift_right_arithmetic3A_1497 = arith.shrsi %select_n3A_1480, %shift_right_arithmetic3A_1496 : vector<128x16xi32>
      %and3A_1498 = arith.constant 255 : i32
      %and3A_1499 = vector.broadcast %and3A_1498 : i32 to vector<128x16xi32>
      %and3A_1500 = arith.andi %shift_right_arithmetic3A_1497, %and3A_1499 : vector<128x16xi32>
      %convert_element_type3A_1501 = arith.sitofp %and3A_1500 : vector<128x16xi32> to vector<128x16xf32>
      %shift_right_arithmetic3A_1502 = arith.constant 24 : i32
      %shift_right_arithmetic3A_1503 = vector.broadcast %shift_right_arithmetic3A_1502 : i32 to vector<128x16xi32>
      %shift_right_arithmetic3A_1504 = arith.shrsi %select_n3A_1480, %shift_right_arithmetic3A_1503 : vector<128x16xi32>
      %and3A_1505 = arith.constant 255 : i32
      %and3A_1506 = vector.broadcast %and3A_1505 : i32 to vector<128x16xi32>
      %and3A_1507 = arith.andi %shift_right_arithmetic3A_1504, %and3A_1506 : vector<128x16xi32>
      %convert_element_type3A_1508 = arith.sitofp %and3A_1507 : vector<128x16xi32> to vector<128x16xf32>
      %mul3A_1509 = arith.mulf %convert_element_type3A_1487, %convert_element_type3A_1487 : vector<128x16xf32>
      %mul3A_1510 = arith.mulf %convert_element_type3A_1494, %convert_element_type3A_1494 : vector<128x16xf32>
      %add3A_1511 = arith.addf %mul3A_1509, %mul3A_1510 : vector<128x16xf32>
      %mul3A_1512 = arith.mulf %convert_element_type3A_1501, %convert_element_type3A_1501 : vector<128x16xf32>
      %add3A_1513 = arith.addf %add3A_1511, %mul3A_1512 : vector<128x16xf32>
      %mul3A_1514 = arith.mulf %convert_element_type3A_1508, %convert_element_type3A_1508 : vector<128x16xf32>
      %add3A_1515 = arith.addf %add3A_1513, %mul3A_1514 : vector<128x16xf32>
      %reduce_sum3A_1516 = arith.constant dense<0.000000e+00> : vector<128xf32>
      %reduce_sum3A_1517 = vector.multi_reduction <add>, %add3A_1515, %reduce_sum3A_1516 [1] : vector<128x16xf32> to vector<128xf32>
      %broadcast_in_dim3A_1518 = vector.shape_cast %reduce_sum3A_1517 : vector<128xf32> to vector<128x1xf32>
      %convert_element_type3A_1519 = arith.fptosi %broadcast_in_dim3A_1518 : vector<128x1xf32> to vector<128x1xi32>
      %shift_right_arithmetic3A_1520 = arith.constant 0 : i32
      %shift_right_arithmetic3A_1521 = vector.broadcast %shift_right_arithmetic3A_1520 : i32 to vector<128x1xi32>
      %shift_right_arithmetic3A_1522 = arith.shrsi %convert_element_type3A_1519, %shift_right_arithmetic3A_1521 : vector<128x1xi32>
      %and3A_1523 = arith.constant 255 : i32
      %and3A_1524 = vector.broadcast %and3A_1523 : i32 to vector<128x1xi32>
      %and3A_1525 = arith.andi %shift_right_arithmetic3A_1522, %and3A_1524 : vector<128x1xi32>
      %convert_element_type3A_1526 = arith.sitofp %and3A_1525 : vector<128x1xi32> to vector<128x1xf32>
      %shift_right_arithmetic3A_1527 = arith.constant 8 : i32
      %shift_right_arithmetic3A_1528 = vector.broadcast %shift_right_arithmetic3A_1527 : i32 to vector<128x1xi32>
      %shift_right_arithmetic3A_1529 = arith.shrsi %convert_element_type3A_1519, %shift_right_arithmetic3A_1528 : vector<128x1xi32>
      %and3A_1530 = arith.constant 255 : i32
      %and3A_1531 = vector.broadcast %and3A_1530 : i32 to vector<128x1xi32>
      %and3A_1532 = arith.andi %shift_right_arithmetic3A_1529, %and3A_1531 : vector<128x1xi32>
      %convert_element_type3A_1533 = arith.sitofp %and3A_1532 : vector<128x1xi32> to vector<128x1xf32>
      %shift_right_arithmetic3A_1534 = arith.constant 16 : i32
      %shift_right_arithmetic3A_1535 = vector.broadcast %shift_right_arithmetic3A_1534 : i32 to vector<128x1xi32>
      %shift_right_arithmetic3A_1536 = arith.shrsi %convert_element_type3A_1519, %shift_right_arithmetic3A_1535 : vector<128x1xi32>
      %and3A_1537 = arith.constant 255 : i32
      %and3A_1538 = vector.broadcast %and3A_1537 : i32 to vector<128x1xi32>
      %and3A_1539 = arith.andi %shift_right_arithmetic3A_1536, %and3A_1538 : vector<128x1xi32>
      %convert_element_type3A_1540 = arith.sitofp %and3A_1539 : vector<128x1xi32> to vector<128x1xf32>
      %broadcast_in_dim3A_1541 = arith.constant 1.000000e+00 : f32
      %broadcast_in_dim3A_1542 = vector.broadcast %broadcast_in_dim3A_1541 : f32 to vector<128x1xf32>
      %mul3A_1543 = arith.constant 2.000000e+00 : f32
      %mul3A_1544 = vector.broadcast %mul3A_1543 : f32 to vector<128x16xf32>
      %mul3A_1545 = arith.mulf %mul3A_1544, %convert_element_type3A_1487 : vector<128x16xf32>
      %convert_element_type3A_1546 = arith.truncf %mul3A_1545 : vector<128x16xf32> to vector<128x16xbf16>
      %mul3A_1547 = arith.constant 2.000000e+00 : f32
      %mul3A_1548 = vector.broadcast %mul3A_1547 : f32 to vector<128x16xf32>
      %mul3A_1549 = arith.mulf %mul3A_1548, %convert_element_type3A_1494 : vector<128x16xf32>
      %convert_element_type3A_1550 = arith.truncf %mul3A_1549 : vector<128x16xf32> to vector<128x16xbf16>
      %mul3A_1551 = arith.constant 2.000000e+00 : f32
      %mul3A_1552 = vector.broadcast %mul3A_1551 : f32 to vector<128x16xf32>
      %mul3A_1553 = arith.mulf %mul3A_1552, %convert_element_type3A_1501 : vector<128x16xf32>
      %convert_element_type3A_1554 = arith.truncf %mul3A_1553 : vector<128x16xf32> to vector<128x16xbf16>
      %mul3A_1555 = arith.constant 2.000000e+00 : f32
      %mul3A_1556 = vector.broadcast %mul3A_1555 : f32 to vector<128x16xf32>
      %mul3A_1557 = arith.mulf %mul3A_1556, %convert_element_type3A_1508 : vector<128x16xf32>
      %convert_element_type3A_1558 = arith.truncf %mul3A_1557 : vector<128x16xf32> to vector<128x16xbf16>
      %neg3A = arith.constant 0.000000e+00 : f32
      %neg3A_1559 = vector.broadcast %neg3A : f32 to vector<128x1xf32>
      %neg3A_1560 = arith.subf %neg3A_1559, %broadcast_in_dim3A_1542 : vector<128x1xf32>
      %convert_element_type3A_1561 = arith.truncf %neg3A_1560 : vector<128x1xf32> to vector<128x1xbf16>
      %mul3A_1562 = arith.constant -2.560000e+02 : f32
      %mul3A_1563 = vector.broadcast %mul3A_1562 : f32 to vector<128x1xf32>
      %mul3A_1564 = arith.mulf %mul3A_1563, %broadcast_in_dim3A_1542 : vector<128x1xf32>
      %convert_element_type3A_1565 = arith.truncf %mul3A_1564 : vector<128x1xf32> to vector<128x1xbf16>
      %mul3A_1566 = arith.constant -6.553600e+04 : f32
      %mul3A_1567 = vector.broadcast %mul3A_1566 : f32 to vector<128x1xf32>
      %mul3A_1568 = arith.mulf %mul3A_1567, %broadcast_in_dim3A_1542 : vector<128x1xf32>
      %convert_element_type3A_1569 = arith.truncf %mul3A_1568 : vector<128x1xf32> to vector<128x1xbf16>
      %neg3A_1570 = arith.constant 0.000000e+00 : f32
      %neg3A_1571 = vector.broadcast %neg3A_1570 : f32 to vector<128x1xf32>
      %neg3A_1572 = arith.subf %neg3A_1571, %convert_element_type3A_1526 : vector<128x1xf32>
      %convert_element_type3A_1573 = arith.truncf %neg3A_1572 : vector<128x1xf32> to vector<128x1xbf16>
      %neg3A_1574 = arith.constant 0.000000e+00 : f32
      %neg3A_1575 = vector.broadcast %neg3A_1574 : f32 to vector<128x1xf32>
      %neg3A_1576 = arith.subf %neg3A_1575, %convert_element_type3A_1533 : vector<128x1xf32>
      %convert_element_type3A_1577 = arith.truncf %neg3A_1576 : vector<128x1xf32> to vector<128x1xbf16>
      %neg3A_1578 = arith.constant 0.000000e+00 : f32
      %neg3A_1579 = vector.broadcast %neg3A_1578 : f32 to vector<128x1xf32>
      %neg3A_1580 = arith.subf %neg3A_1579, %convert_element_type3A_1540 : vector<128x1xf32>
      %convert_element_type3A_1581 = arith.truncf %neg3A_1580 : vector<128x1xf32> to vector<128x1xbf16>
      %concatenate3A_1582 = tpu.concatenate %convert_element_type3A_1546, %convert_element_type3A_1550, %convert_element_type3A_1554, %convert_element_type3A_1558, %convert_element_type3A_1561, %convert_element_type3A_1565, %convert_element_type3A_1569, %convert_element_type3A_1573, %convert_element_type3A_1577, %convert_element_type3A_1581 in 1 : vector<128x16xbf16>, vector<128x16xbf16>, vector<128x16xbf16>, vector<128x16xbf16>, vector<128x1xbf16>, vector<128x1xbf16>, vector<128x1xbf16>, vector<128x1xbf16>, vector<128x1xbf16>, vector<128x1xbf16> -> vector<128x70xbf16>
      %swap3A = arith.constant 0 : index
      %swap3A_1583 = arith.constant 0 : index
      %swap3A_1584 = vector.load %arg5[%swap3A, %swap3A_1583] : memref<128x70xbf16, #tpu.memory_space<vmem>>, vector<128x70xbf16>
      tpu.vector_store %arg5[%swap3A, %swap3A_1583], %concatenate3A_1582 {strides = array<i32>} : memref<128x70xbf16, #tpu.memory_space<vmem>>, vector<128x70xbf16>,
    } else {
    }
    %get3A = arith.constant 0 : index
    %get3A_2 = arith.constant 0 : index
    %get3A_3 = vector.load %arg1[%get3A, %get3A_2] : memref<16x12544xf32, #tpu.memory_space<vmem>>, vector<16x12544xf32>
    %bitcast_convert_type3A = tpu.bitcast %get3A_3 : vector<16x12544xf32> -> vector<16x12544xi32>
    %eq3A_4 = arith.constant -2147483648 : i32
    %eq3A_5 = vector.broadcast %eq3A_4 : i32 to vector<16x12544xi32>
    %eq3A_6 = arith.cmpi eq, %bitcast_convert_type3A, %eq3A_5 : vector<16x12544xi32>
    %jit3A = arith.constant 0 : i32
    %broadcast_in_dim3A = vector.broadcast %jit3A : i32 to vector<16x12544xi32>
    %select_n3A = arith.select %eq3A_6, %broadcast_in_dim3A, %bitcast_convert_type3A : vector<16x12544xi1>, vector<16x12544xi32>
    %shift_right_arithmetic3A = arith.constant 0 : i32
    %shift_right_arithmetic3A_7 = vector.broadcast %shift_right_arithmetic3A : i32 to vector<16x12544xi32>
    %shift_right_arithmetic3A_8 = arith.shrsi %select_n3A, %shift_right_arithmetic3A_7 : vector<16x12544xi32>
    %and3A = arith.constant 255 : i32
    %and3A_9 = vector.broadcast %and3A : i32 to vector<16x12544xi32>
    %and3A_10 = arith.andi %shift_right_arithmetic3A_8, %and3A_9 : vector<16x12544xi32>
    %convert_element_type3A_11 = arith.sitofp %and3A_10 : vector<16x12544xi32> to vector<16x12544xf32>
    %shift_right_arithmetic3A_12 = arith.constant 8 : i32
    %shift_right_arithmetic3A_13 = vector.broadcast %shift_right_arithmetic3A_12 : i32 to vector<16x12544xi32>
    %shift_right_arithmetic3A_14 = arith.shrsi %select_n3A, %shift_right_arithmetic3A_13 : vector<16x12544xi32>
    %and3A_15 = arith.constant 255 : i32
    %and3A_16 = vector.broadcast %and3A_15 : i32 to vector<16x12544xi32>
    %and3A_17 = arith.andi %shift_right_arithmetic3A_14, %and3A_16 : vector<16x12544xi32>
    %convert_element_type3A_18 = arith.sitofp %and3A_17 : vector<16x12544xi32> to vector<16x12544xf32>
    %shift_right_arithmetic3A_19 = arith.constant 16 : i32
    %shift_right_arithmetic3A_20 = vector.broadcast %shift_right_arithmetic3A_19 : i32 to vector<16x12544xi32>
    %shift_right_arithmetic3A_21 = arith.shrsi %select_n3A, %shift_right_arithmetic3A_20 : vector<16x12544xi32>
    %and3A_22 = arith.constant 255 : i32
    %and3A_23 = vector.broadcast %and3A_22 : i32 to vector<16x12544xi32>
    %and3A_24 = arith.andi %shift_right_arithmetic3A_21, %and3A_23 : vector<16x12544xi32>
    %convert_element_type3A_25 = arith.sitofp %and3A_24 : vector<16x12544xi32> to vector<16x12544xf32>
    %shift_right_arithmetic3A_26 = arith.constant 24 : i32
    %shift_right_arithmetic3A_27 = vector.broadcast %shift_right_arithmetic3A_26 : i32 to vector<16x12544xi32>
    %shift_right_arithmetic3A_28 = arith.shrsi %select_n3A, %shift_right_arithmetic3A_27 : vector<16x12544xi32>
    %and3A_29 = arith.constant 255 : i32
    %and3A_30 = vector.broadcast %and3A_29 : i32 to vector<16x12544xi32>
    %and3A_31 = arith.andi %shift_right_arithmetic3A_28, %and3A_30 : vector<16x12544xi32>
    %convert_element_type3A_32 = arith.sitofp %and3A_31 : vector<16x12544xi32> to vector<16x12544xf32>
    %mul3A = arith.mulf %convert_element_type3A_11, %convert_element_type3A_11 : vector<16x12544xf32>
    %mul3A_33 = arith.mulf %convert_element_type3A_18, %convert_element_type3A_18 : vector<16x12544xf32>
    %add3A = arith.addf %mul3A, %mul3A_33 : vector<16x12544xf32>
    %mul3A_34 = arith.mulf %convert_element_type3A_25, %convert_element_type3A_25 : vector<16x12544xf32>
    %add3A_35 = arith.addf %add3A, %mul3A_34 : vector<16x12544xf32>
    %mul3A_36 = arith.mulf %convert_element_type3A_32, %convert_element_type3A_32 : vector<16x12544xf32>
    %add3A_37 = arith.addf %add3A_35, %mul3A_36 : vector<16x12544xf32>
    %reduce_sum3A = arith.constant dense<0.000000e+00> : vector<12544xf32>
    %reduce_sum3A_38 = vector.multi_reduction <add>, %add3A_37, %reduce_sum3A [0] : vector<16x12544xf32> to vector<12544xf32>
    %broadcast_in_dim3A_39 = vector.shape_cast %reduce_sum3A_38 : vector<12544xf32> to vector<1x12544xf32>
    %convert_element_type3A_40 = arith.fptosi %broadcast_in_dim3A_39 : vector<1x12544xf32> to vector<1x12544xi32>
    %shift_right_arithmetic3A_41 = arith.constant 0 : i32
    %shift_right_arithmetic3A_42 = vector.broadcast %shift_right_arithmetic3A_41 : i32 to vector<1x12544xi32>
    %shift_right_arithmetic3A_43 = arith.shrsi %convert_element_type3A_40, %shift_right_arithmetic3A_42 : vector<1x12544xi32>
    %and3A_44 = arith.constant 255 : i32
    %and3A_45 = vector.broadcast %and3A_44 : i32 to vector<1x12544xi32>
    %and3A_46 = arith.andi %shift_right_arithmetic3A_43, %and3A_45 : vector<1x12544xi32>
    %convert_element_type3A_47 = arith.sitofp %and3A_46 : vector<1x12544xi32> to vector<1x12544xf32>
    %shift_right_arithmetic3A_48 = arith.constant 8 : i32
    %shift_right_arithmetic3A_49 = vector.broadcast %shift_right_arithmetic3A_48 : i32 to vector<1x12544xi32>
    %shift_right_arithmetic3A_50 = arith.shrsi %convert_element_type3A_40, %shift_right_arithmetic3A_49 : vector<1x12544xi32>
    %and3A_51 = arith.constant 255 : i32
    %and3A_52 = vector.broadcast %and3A_51 : i32 to vector<1x12544xi32>
    %and3A_53 = arith.andi %shift_right_arithmetic3A_50, %and3A_52 : vector<1x12544xi32>
    %convert_element_type3A_54 = arith.sitofp %and3A_53 : vector<1x12544xi32> to vector<1x12544xf32>
    %shift_right_arithmetic3A_55 = arith.constant 16 : i32
    %shift_right_arithmetic3A_56 = vector.broadcast %shift_right_arithmetic3A_55 : i32 to vector<1x12544xi32>
    %shift_right_arithmetic3A_57 = arith.shrsi %convert_element_type3A_40, %shift_right_arithmetic3A_56 : vector<1x12544xi32>
    %and3A_58 = arith.constant 255 : i32
    %and3A_59 = vector.broadcast %and3A_58 : i32 to vector<1x12544xi32>
    %and3A_60 = arith.andi %shift_right_arithmetic3A_57, %and3A_59 : vector<1x12544xi32>
    %convert_element_type3A_61 = arith.sitofp %and3A_60 : vector<1x12544xi32> to vector<1x12544xf32>
    %broadcast_in_dim3A_62 = arith.constant 1.000000e+00 : f32
    %broadcast_in_dim3A_63 = vector.broadcast %broadcast_in_dim3A_62 : f32 to vector<1x12544xf32>
    %convert_element_type3A_64 = arith.truncf %convert_element_type3A_11 : vector<16x12544xf32> to vector<16x12544xbf16>
    %convert_element_type3A_65 = arith.truncf %convert_element_type3A_18 : vector<16x12544xf32> to vector<16x12544xbf16>
    %convert_element_type3A_66 = arith.truncf %convert_element_type3A_25 : vector<16x12544xf32> to vector<16x12544xbf16>
    %convert_element_type3A_67 = arith.truncf %convert_element_type3A_32 : vector<16x12544xf32> to vector<16x12544xbf16>
    %convert_element_type3A_68 = arith.truncf %convert_element_type3A_47 : vector<1x12544xf32> to vector<1x12544xbf16>
    %convert_element_type3A_69 = arith.truncf %convert_element_type3A_54 : vector<1x12544xf32> to vector<1x12544xbf16>
    %convert_element_type3A_70 = arith.truncf %convert_element_type3A_61 : vector<1x12544xf32> to vector<1x12544xbf16>
    %convert_element_type3A_71 = arith.truncf %broadcast_in_dim3A_63 : vector<1x12544xf32> to vector<1x12544xbf16>
    %mul3A_72 = arith.constant 2.560000e+02 : f32
    %mul3A_73 = vector.broadcast %mul3A_72 : f32 to vector<1x12544xf32>
    %mul3A_74 = arith.mulf %broadcast_in_dim3A_63, %mul3A_73 : vector<1x12544xf32>
    %convert_element_type3A_75 = arith.truncf %mul3A_74 : vector<1x12544xf32> to vector<1x12544xbf16>
    %mul3A_76 = arith.constant 6.553600e+04 : f32
    %mul3A_77 = vector.broadcast %mul3A_76 : f32 to vector<1x12544xf32>
    %mul3A_78 = arith.mulf %broadcast_in_dim3A_63, %mul3A_77 : vector<1x12544xf32>
    %convert_element_type3A_79 = arith.truncf %mul3A_78 : vector<1x12544xf32> to vector<1x12544xbf16>
    %concatenate3A = tpu.concatenate %convert_element_type3A_64, %convert_element_type3A_65, %convert_element_type3A_66, %convert_element_type3A_67, %convert_element_type3A_68, %convert_element_type3A_69, %convert_element_type3A_70, %convert_element_type3A_71, %convert_element_type3A_75, %convert_element_type3A_79 in 0 : vector<16x12544xbf16>, vector<16x12544xbf16>, vector<16x12544xbf16>, vector<16x12544xbf16>, vector<1x12544xbf16>, vector<1x12544xbf16>, vector<1x12544xbf16>, vector<1x12544xbf16>, vector<1x12544xbf16>, vector<1x12544xbf16> -> vector<70x12544xbf16>
    %get3A_80 = arith.constant 0 : index
    %get3A_81 = arith.constant 0 : index
    %get3A_82 = vector.load %arg5[%get3A_80, %get3A_81] : memref<128x70xbf16, #tpu.memory_space<vmem>>, vector<128x70xbf16>
    %dot_general3A = arith.constant dense<0.000000e+00> : vector<128x12544xf32>
    %dot_general3A_83 = tpu.matmul %get3A_82, %concatenate3A, %dot_general3A {dimension_numbers = #tpu.dot_dimension_numbers<[1], [0], [0], [1], [0, 0, 1, 1], [], []>, transpose_lhs_hint = false} : vector<128x70xbf16>, vector<70x12544xbf16>, vector<128x12544xf32> -> vector<128x12544xf32>
    %iota3A = tpu.iota {dimensions = array<i32: 1>} : vector<1x128xi32>
    %convert_element_type3A_84 = arith.sitofp %iota3A : vector<1x128xi32> to vector<1x128xf32>
    %mul3A_85 = arith.constant 12544 : i32
    %mul3A_86 = arith.muli %arg0, %mul3A_85 : i32
    %convert_element_type3A_87 = arith.sitofp %mul3A_86 : i32 to f32
    %slice3A = vector.extract_strided_slice %dot_general3A_83 {offsets = [0, 0], sizes = [128, 128], strides = [1, 1]} : vector<128x12544xf32> to vector<128x128xf32>
    %eq3A_88 = arith.constant 0.000000e+00 : f32
    %eq3A_89 = vector.broadcast %eq3A_88 : f32 to vector<128x128xf32>
    %eq3A_90 = arith.cmpf oeq, %slice3A, %eq3A_89 : vector<128x128xf32>
    %add3A_91 = arith.constant 0.000000e+00 : f32
    %add3A_92 = arith.addf %convert_element_type3A_87, %add3A_91 : f32
    %add3A_93 = vector.broadcast %add3A_92 : f32 to vector<1x128xf32>
    %add3A_94 = arith.addf %convert_element_type3A_84, %add3A_93 : vector<1x128xf32>
    %jit3A_95 = arith.constant 0x4C000000 : f32
    %broadcast_in_dim3A_96 = vector.shape_cast %add3A_94 : vector<1x128xf32> to vector<1x128xf32>
    %broadcast_in_dim3A_97 = vector.broadcast %broadcast_in_dim3A_96 : vector<1x128xf32> to vector<128x128xf32>
    %broadcast_in_dim3A_98 = vector.broadcast %jit3A_95 : f32 to vector<128x128xf32>
    %select_n3A_99 = arith.select %eq3A_90, %broadcast_in_dim3A_97, %broadcast_in_dim3A_98 : vector<128x128xi1>, vector<128x128xf32>
    %slice3A_100 = vector.extract_strided_slice %dot_general3A_83 {offsets = [0, 128], sizes = [128, 128], strides = [1, 1]} : vector<128x12544xf32> to vector<128x128xf32>
    %eq3A_101 = arith.constant 0.000000e+00 : f32
    %eq3A_102 = vector.broadcast %eq3A_101 : f32 to vector<128x128xf32>
    %eq3A_103 = arith.cmpf oeq, %slice3A_100, %eq3A_102 : vector<128x128xf32>
    %add3A_104 = arith.constant 1.280000e+02 : f32
    %add3A_105 = arith.addf %convert_element_type3A_87, %add3A_104 : f32
    %add3A_106 = vector.broadcast %add3A_105 : f32 to vector<1x128xf32>
    %add3A_107 = arith.addf %convert_element_type3A_84, %add3A_106 : vector<1x128xf32>
    %jit3A_108 = arith.constant 0x4C000000 : f32
    %broadcast_in_dim3A_109 = vector.shape_cast %add3A_107 : vector<1x128xf32> to vector<1x128xf32>
    %broadcast_in_dim3A_110 = vector.broadcast %broadcast_in_dim3A_109 : vector<1x128xf32> to vector<128x128xf32>
    %broadcast_in_dim3A_111 = vector.broadcast %jit3A_108 : f32 to vector<128x128xf32>
    %select_n3A_112 = arith.select %eq3A_103, %broadcast_in_dim3A_110, %broadcast_in_dim3A_111 : vector<128x128xi1>, vector<128x128xf32>
    %min3A = arith.minimumf %select_n3A_99, %select_n3A_112 : vector<128x128xf32>
    %slice3A_113 = vector.extract_strided_slice %dot_general3A_83 {offsets = [0, 256], sizes = [128, 128], strides = [1, 1]} : vector<128x12544xf32> to vector<128x128xf32>
    %eq3A_114 = arith.constant 0.000000e+00 : f32
    %eq3A_115 = vector.broadcast %eq3A_114 : f32 to vector<128x128xf32>
    %eq3A_116 = arith.cmpf oeq, %slice3A_113, %eq3A_115 : vector<128x128xf32>
    %add3A_117 = arith.constant 2.560000e+02 : f32
    %add3A_118 = arith.addf %convert_element_type3A_87, %add3A_117 : f32
    %add3A_119 = vector.broadcast %add3A_118 : f32 to vector<1x128xf32>
    %add3A_120 = arith.addf %convert_element_type3A_84, %add3A_119 : vector<1x128xf32>
    %jit3A_121 = arith.constant 0x4C000000 : f32
    %broadcast_in_dim3A_122 = vector.shape_cast %add3A_120 : vector<1x128xf32> to vector<1x128xf32>
    %broadcast_in_dim3A_123 = vector.broadcast %broadcast_in_dim3A_122 : vector<1x128xf32> to vector<128x128xf32>
    %broadcast_in_dim3A_124 = vector.broadcast %jit3A_121 : f32 to vector<128x128xf32>
    %select_n3A_125 = arith.select %eq3A_116, %broadcast_in_dim3A_123, %broadcast_in_dim3A_124 : vector<128x128xi1>, vector<128x128xf32>
    %min3A_126 = arith.minimumf %min3A, %select_n3A_125 : vector<128x128xf32>
    %slice3A_127 = vector.extract_strided_slice %dot_general3A_83 {offsets = [0, 384], sizes = [128, 128], strides = [1, 1]} : vector<128x12544xf32> to vector<128x128xf32>
    %eq3A_128 = arith.constant 0.000000e+00 : f32
    %eq3A_129 = vector.broadcast %eq3A_128 : f32 to vector<128x128xf32>
    %eq3A_130 = arith.cmpf oeq, %slice3A_127, %eq3A_129 : vector<128x128xf32>
    %add3A_131 = arith.constant 3.840000e+02 : f32
    %add3A_132 = arith.addf %convert_element_type3A_87, %add3A_131 : f32
    %add3A_133 = vector.broadcast %add3A_132 : f32 to vector<1x128xf32>
    %add3A_134 = arith.addf %convert_element_type3A_84, %add3A_133 : vector<1x128xf32>
    %jit3A_135 = arith.constant 0x4C000000 : f32
    %broadcast_in_dim3A_136 = vector.shape_cast %add3A_134 : vector<1x128xf32> to vector<1x128xf32>
    %broadcast_in_dim3A_137 = vector.broadcast %broadcast_in_dim3A_136 : vector<1x128xf32> to vector<128x128xf32>
    %broadcast_in_dim3A_138 = vector.broadcast %jit3A_135 : f32 to vector<128x128xf32>
    %select_n3A_139 = arith.select %eq3A_130, %broadcast_in_dim3A_137, %broadcast_in_dim3A_138 : vector<128x128xi1>, vector<128x128xf32>
    %min3A_140 = arith.minimumf %min3A_126, %select_n3A_139 : vector<128x128xf32>
    %slice3A_141 = vector.extract_strided_slice %dot_general3A_83 {offsets = [0, 512], sizes = [128, 128], strides = [1, 1]} : vector<128x12544xf32> to vector<128x128xf32>
    %eq3A_142 = arith.constant 0.000000e+00 : f32
    %eq3A_143 = vector.broadcast %eq3A_142 : f32 to vector<128x128xf32>
    %eq3A_144 = arith.cmpf oeq, %slice3A_141, %eq3A_143 : vector<128x128xf32>
    %add3A_145 = arith.constant 5.120000e+02 : f32
    %add3A_146 = arith.addf %convert_element_type3A_87, %add3A_145 : f32
    %add3A_147 = vector.broadcast %add3A_146 : f32 to vector<1x128xf32>
    %add3A_148 = arith.addf %convert_element_type3A_84, %add3A_147 : vector<1x128xf32>
    %jit3A_149 = arith.constant 0x4C000000 : f32
    %broadcast_in_dim3A_150 = vector.shape_cast %add3A_148 : vector<1x128xf32> to vector<1x128xf32>
    %broadcast_in_dim3A_151 = vector.broadcast %broadcast_in_dim3A_150 : vector<1x128xf32> to vector<128x128xf32>
    %broadcast_in_dim3A_152 = vector.broadcast %jit3A_149 : f32 to vector<128x128xf32>
    %select_n3A_153 = arith.select %eq3A_144, %broadcast_in_dim3A_151, %broadcast_in_dim3A_152 : vector<128x128xi1>, vector<128x128xf32>
    %min3A_154 = arith.minimumf %min3A_140, %select_n3A_153 : vector<128x128xf32>
    %slice3A_155 = vector.extract_strided_slice %dot_general3A_83 {offsets = [0, 640], sizes = [128, 128], strides = [1, 1]} : vector<128x12544xf32> to vector<128x128xf32>
    %eq3A_156 = arith.constant 0.000000e+00 : f32
    %eq3A_157 = vector.broadcast %eq3A_156 : f32 to vector<128x128xf32>
    %eq3A_158 = arith.cmpf oeq, %slice3A_155, %eq3A_157 : vector<128x128xf32>
    %add3A_159 = arith.constant 6.400000e+02 : f32
    %add3A_160 = arith.addf %convert_element_type3A_87, %add3A_159 : f32
    %add3A_161 = vector.broadcast %add3A_160 : f32 to vector<1x128xf32>
    %add3A_162 = arith.addf %convert_element_type3A_84, %add3A_161 : vector<1x128xf32>
    %jit3A_163 = arith.constant 0x4C000000 : f32
    %broadcast_in_dim3A_164 = vector.shape_cast %add3A_162 : vector<1x128xf32> to vector<1x128xf32>
    %broadcast_in_dim3A_165 = vector.broadcast %broadcast_in_dim3A_164 : vector<1x128xf32> to vector<128x128xf32>
    %broadcast_in_dim3A_166 = vector.broadcast %jit3A_163 : f32 to vector<128x128xf32>
    %select_n3A_167 = arith.select %eq3A_158, %broadcast_in_dim3A_165, %broadcast_in_dim3A_166 : vector<128x128xi1>, vector<128x128xf32>
    %min3A_168 = arith.minimumf %min3A_154, %select_n3A_167 : vector<128x128xf32>
    %slice3A_169 = vector.extract_strided_slice %dot_general3A_83 {offsets = [0, 768], sizes = [128, 128], strides = [1, 1]} : vector<128x12544xf32> to vector<128x128xf32>
    %eq3A_170 = arith.constant 0.000000e+00 : f32
    %eq3A_171 = vector.broadcast %eq3A_170 : f32 to vector<128x128xf32>
    %eq3A_172 = arith.cmpf oeq, %slice3A_169, %eq3A_171 : vector<128x128xf32>
    %add3A_173 = arith.constant 7.680000e+02 : f32
    %add3A_174 = arith.addf %convert_element_type3A_87, %add3A_173 : f32
    %add3A_175 = vector.broadcast %add3A_174 : f32 to vector<1x128xf32>
    %add3A_176 = arith.addf %convert_element_type3A_84, %add3A_175 : vector<1x128xf32>
    %jit3A_177 = arith.constant 0x4C000000 : f32
    %broadcast_in_dim3A_178 = vector.shape_cast %add3A_176 : vector<1x128xf32> to vector<1x128xf32>
    %broadcast_in_dim3A_179 = vector.broadcast %broadcast_in_dim3A_178 : vector<1x128xf32> to vector<128x128xf32>
    %broadcast_in_dim3A_180 = vector.broadcast %jit3A_177 : f32 to vector<128x128xf32>
    %select_n3A_181 = arith.select %eq3A_172, %broadcast_in_dim3A_179, %broadcast_in_dim3A_180 : vector<128x128xi1>, vector<128x128xf32>
    %min3A_182 = arith.minimumf %min3A_168, %select_n3A_181 : vector<128x128xf32>
    %slice3A_183 = vector.extract_strided_slice %dot_general3A_83 {offsets = [0, 896], sizes = [128, 128], strides = [1, 1]} : vector<128x12544xf32> to vector<128x128xf32>
    %eq3A_184 = arith.constant 0.000000e+00 : f32
    %eq3A_185 = vector.broadcast %eq3A_184 : f32 to vector<128x128xf32>
    %eq3A_186 = arith.cmpf oeq, %slice3A_183, %eq3A_185 : vector<128x128xf32>
    %add3A_187 = arith.constant 8.960000e+02 : f32
    %add3A_188 = arith.addf %convert_element_type3A_87, %add3A_187 : f32
    %add3A_189 = vector.broadcast %add3A_188 : f32 to vector<1x128xf32>
    %add3A_190 = arith.addf %convert_element_type3A_84, %add3A_189 : vector<1x128xf32>
    %jit3A_191 = arith.constant 0x4C000000 : f32
    %broadcast_in_dim3A_192 = vector.shape_cast %add3A_190 : vector<1x128xf32> to vector<1x128xf32>
    %broadcast_in_dim3A_193 = vector.broadcast %broadcast_in_dim3A_192 : vector<1x128xf32> to vector<128x128xf32>
    %broadcast_in_dim3A_194 = vector.broadcast %jit3A_191 : f32 to vector<128x128xf32>
    %select_n3A_195 = arith.select %eq3A_186, %broadcast_in_dim3A_193, %broadcast_in_dim3A_194 : vector<128x128xi1>, vector<128x128xf32>
    %min3A_196 = arith.minimumf %min3A_182, %select_n3A_195 : vector<128x128xf32>
    %slice3A_197 = vector.extract_strided_slice %dot_general3A_83 {offsets = [0, 1024], sizes = [128, 128], strides = [1, 1]} : vector<128x12544xf32> to vector<128x128xf32>
    %eq3A_198 = arith.constant 0.000000e+00 : f32
    %eq3A_199 = vector.broadcast %eq3A_198 : f32 to vector<128x128xf32>
    %eq3A_200 = arith.cmpf oeq, %slice3A_197, %eq3A_199 : vector<128x128xf32>
    %add3A_201 = arith.constant 1.024000e+03 : f32
    %add3A_202 = arith.addf %convert_element_type3A_87, %add3A_201 : f32
    %add3A_203 = vector.broadcast %add3A_202 : f32 to vector<1x128xf32>
    %add3A_204 = arith.addf %convert_element_type3A_84, %add3A_203 : vector<1x128xf32>
    %jit3A_205 = arith.constant 0x4C000000 : f32
    %broadcast_in_dim3A_206 = vector.shape_cast %add3A_204 : vector<1x128xf32> to vector<1x128xf32>
    %broadcast_in_dim3A_207 = vector.broadcast %broadcast_in_dim3A_206 : vector<1x128xf32> to vector<128x128xf32>
    %broadcast_in_dim3A_208 = vector.broadcast %jit3A_205 : f32 to vector<128x128xf32>
    %select_n3A_209 = arith.select %eq3A_200, %broadcast_in_dim3A_207, %broadcast_in_dim3A_208 : vector<128x128xi1>, vector<128x128xf32>
    %min3A_210 = arith.minimumf %min3A_196, %select_n3A_209 : vector<128x128xf32>
    %slice3A_211 = vector.extract_strided_slice %dot_general3A_83 {offsets = [0, 1152], sizes = [128, 128], strides = [1, 1]} : vector<128x12544xf32> to vector<128x128xf32>
    %eq3A_212 = arith.constant 0.000000e+00 : f32
    %eq3A_213 = vector.broadcast %eq3A_212 : f32 to vector<128x128xf32>
    %eq3A_214 = arith.cmpf oeq, %slice3A_211, %eq3A_213 : vector<128x128xf32>
    %add3A_215 = arith.constant 1.152000e+03 : f32
    %add3A_216 = arith.addf %convert_element_type3A_87, %add3A_215 : f32
    %add3A_217 = vector.broadcast %add3A_216 : f32 to vector<1x128xf32>
    %add3A_218 = arith.addf %convert_element_type3A_84, %add3A_217 : vector<1x128xf32>
    %jit3A_219 = arith.constant 0x4C000000 : f32
    %broadcast_in_dim3A_220 = vector.shape_cast %add3A_218 : vector<1x128xf32> to vector<1x128xf32>
    %broadcast_in_dim3A_221 = vector.broadcast %broadcast_in_dim3A_220 : vector<1x128xf32> to vector<128x128xf32>
    %broadcast_in_dim3A_222 = vector.broadcast %jit3A_219 : f32 to vector<128x128xf32>
    %select_n3A_223 = arith.select %eq3A_214, %broadcast_in_dim3A_221, %broadcast_in_dim3A_222 : vector<128x128xi1>, vector<128x128xf32>
    %min3A_224 = arith.minimumf %min3A_210, %select_n3A_223 : vector<128x128xf32>
    %slice3A_225 = vector.extract_strided_slice %dot_general3A_83 {offsets = [0, 1280], sizes = [128, 128], strides = [1, 1]} : vector<128x12544xf32> to vector<128x128xf32>
    %eq3A_226 = arith.constant 0.000000e+00 : f32
    %eq3A_227 = vector.broadcast %eq3A_226 : f32 to vector<128x128xf32>
    %eq3A_228 = arith.cmpf oeq, %slice3A_225, %eq3A_227 : vector<128x128xf32>
    %add3A_229 = arith.constant 1.280000e+03 : f32
    %add3A_230 = arith.addf %convert_element_type3A_87, %add3A_229 : f32
    %add3A_231 = vector.broadcast %add3A_230 : f32 to vector<1x128xf32>
    %add3A_232 = arith.addf %convert_element_type3A_84, %add3A_231 : vector<1x128xf32>
    %jit3A_233 = arith.constant 0x4C000000 : f32
    %broadcast_in_dim3A_234 = vector.shape_cast %add3A_232 : vector<1x128xf32> to vector<1x128xf32>
    %broadcast_in_dim3A_235 = vector.broadcast %broadcast_in_dim3A_234 : vector<1x128xf32> to vector<128x128xf32>
    %broadcast_in_dim3A_236 = vector.broadcast %jit3A_233 : f32 to vector<128x128xf32>
    %select_n3A_237 = arith.select %eq3A_228, %broadcast_in_dim3A_235, %broadcast_in_dim3A_236 : vector<128x128xi1>, vector<128x128xf32>
    %min3A_238 = arith.minimumf %min3A_224, %select_n3A_237 : vector<128x128xf32>
    %slice3A_239 = vector.extract_strided_slice %dot_general3A_83 {offsets = [0, 1408], sizes = [128, 128], strides = [1, 1]} : vector<128x12544xf32> to vector<128x128xf32>
    %eq3A_240 = arith.constant 0.000000e+00 : f32
    %eq3A_241 = vector.broadcast %eq3A_240 : f32 to vector<128x128xf32>
    %eq3A_242 = arith.cmpf oeq, %slice3A_239, %eq3A_241 : vector<128x128xf32>
    %add3A_243 = arith.constant 1.408000e+03 : f32
    %add3A_244 = arith.addf %convert_element_type3A_87, %add3A_243 : f32
    %add3A_245 = vector.broadcast %add3A_244 : f32 to vector<1x128xf32>
    %add3A_246 = arith.addf %convert_element_type3A_84, %add3A_245 : vector<1x128xf32>
    %jit3A_247 = arith.constant 0x4C000000 : f32
    %broadcast_in_dim3A_248 = vector.shape_cast %add3A_246 : vector<1x128xf32> to vector<1x128xf32>
    %broadcast_in_dim3A_249 = vector.broadcast %broadcast_in_dim3A_248 : vector<1x128xf32> to vector<128x128xf32>
    %broadcast_in_dim3A_250 = vector.broadcast %jit3A_247 : f32 to vector<128x128xf32>
    %select_n3A_251 = arith.select %eq3A_242, %broadcast_in_dim3A_249, %broadcast_in_dim3A_250 : vector<128x128xi1>, vector<128x128xf32>
    %min3A_252 = arith.minimumf %min3A_238, %select_n3A_251 : vector<128x128xf32>
    %slice3A_253 = vector.extract_strided_slice %dot_general3A_83 {offsets = [0, 1536], sizes = [128, 128], strides = [1, 1]} : vector<128x12544xf32> to vector<128x128xf32>
    %eq3A_254 = arith.constant 0.000000e+00 : f32
    %eq3A_255 = vector.broadcast %eq3A_254 : f32 to vector<128x128xf32>
    %eq3A_256 = arith.cmpf oeq, %slice3A_253, %eq3A_255 : vector<128x128xf32>
    %add3A_257 = arith.constant 1.536000e+03 : f32
    %add3A_258 = arith.addf %convert_element_type3A_87, %add3A_257 : f32
    %add3A_259 = vector.broadcast %add3A_258 : f32 to vector<1x128xf32>
    %add3A_260 = arith.addf %convert_element_type3A_84, %add3A_259 : vector<1x128xf32>
    %jit3A_261 = arith.constant 0x4C000000 : f32
    %broadcast_in_dim3A_262 = vector.shape_cast %add3A_260 : vector<1x128xf32> to vector<1x128xf32>
    %broadcast_in_dim3A_263 = vector.broadcast %broadcast_in_dim3A_262 : vector<1x128xf32> to vector<128x128xf32>
    %broadcast_in_dim3A_264 = vector.broadcast %jit3A_261 : f32 to vector<128x128xf32>
    %select_n3A_265 = arith.select %eq3A_256, %broadcast_in_dim3A_263, %broadcast_in_dim3A_264 : vector<128x128xi1>, vector<128x128xf32>
    %min3A_266 = arith.minimumf %min3A_252, %select_n3A_265 : vector<128x128xf32>
    %slice3A_267 = vector.extract_strided_slice %dot_general3A_83 {offsets = [0, 1664], sizes = [128, 128], strides = [1, 1]} : vector<128x12544xf32> to vector<128x128xf32>
    %eq3A_268 = arith.constant 0.000000e+00 : f32
    %eq3A_269 = vector.broadcast %eq3A_268 : f32 to vector<128x128xf32>
    %eq3A_270 = arith.cmpf oeq, %slice3A_267, %eq3A_269 : vector<128x128xf32>
    %add3A_271 = arith.constant 1.664000e+03 : f32
    %add3A_272 = arith.addf %convert_element_type3A_87, %add3A_271 : f32
    %add3A_273 = vector.broadcast %add3A_272 : f32 to vector<1x128xf32>
    %add3A_274 = arith.addf %convert_element_type3A_84, %add3A_273 : vector<1x128xf32>
    %jit3A_275 = arith.constant 0x4C000000 : f32
    %broadcast_in_dim3A_276 = vector.shape_cast %add3A_274 : vector<1x128xf32> to vector<1x128xf32>
    %broadcast_in_dim3A_277 = vector.broadcast %broadcast_in_dim3A_276 : vector<1x128xf32> to vector<128x128xf32>
    %broadcast_in_dim3A_278 = vector.broadcast %jit3A_275 : f32 to vector<128x128xf32>
    %select_n3A_279 = arith.select %eq3A_270, %broadcast_in_dim3A_277, %broadcast_in_dim3A_278 : vector<128x128xi1>, vector<128x128xf32>
    %min3A_280 = arith.minimumf %min3A_266, %select_n3A_279 : vector<128x128xf32>
    %slice3A_281 = vector.extract_strided_slice %dot_general3A_83 {offsets = [0, 1792], sizes = [128, 128], strides = [1, 1]} : vector<128x12544xf32> to vector<128x128xf32>
    %eq3A_282 = arith.constant 0.000000e+00 : f32
    %eq3A_283 = vector.broadcast %eq3A_282 : f32 to vector<128x128xf32>
    %eq3A_284 = arith.cmpf oeq, %slice3A_281, %eq3A_283 : vector<128x128xf32>
    %add3A_285 = arith.constant 1.792000e+03 : f32
    %add3A_286 = arith.addf %convert_element_type3A_87, %add3A_285 : f32
    %add3A_287 = vector.broadcast %add3A_286 : f32 to vector<1x128xf32>
    %add3A_288 = arith.addf %convert_element_type3A_84, %add3A_287 : vector<1x128xf32>
    %jit3A_289 = arith.constant 0x4C000000 : f32
    %broadcast_in_dim3A_290 = vector.shape_cast %add3A_288 : vector<1x128xf32> to vector<1x128xf32>
    %broadcast_in_dim3A_291 = vector.broadcast %broadcast_in_dim3A_290 : vector<1x128xf32> to vector<128x128xf32>
    %broadcast_in_dim3A_292 = vector.broadcast %jit3A_289 : f32 to vector<128x128xf32>
    %select_n3A_293 = arith.select %eq3A_284, %broadcast_in_dim3A_291, %broadcast_in_dim3A_292 : vector<128x128xi1>, vector<128x128xf32>
    %min3A_294 = arith.minimumf %min3A_280, %select_n3A_293 : vector<128x128xf32>
    %slice3A_295 = vector.extract_strided_slice %dot_general3A_83 {offsets = [0, 1920], sizes = [128, 128], strides = [1, 1]} : vector<128x12544xf32> to vector<128x128xf32>
    %eq3A_296 = arith.constant 0.000000e+00 : f32
    %eq3A_297 = vector.broadcast %eq3A_296 : f32 to vector<128x128xf32>
    %eq3A_298 = arith.cmpf oeq, %slice3A_295, %eq3A_297 : vector<128x128xf32>
    %add3A_299 = arith.constant 1.920000e+03 : f32
    %add3A_300 = arith.addf %convert_element_type3A_87, %add3A_299 : f32
    %add3A_301 = vector.broadcast %add3A_300 : f32 to vector<1x128xf32>
    %add3A_302 = arith.addf %convert_element_type3A_84, %add3A_301 : vector<1x128xf32>
    %jit3A_303 = arith.constant 0x4C000000 : f32
    %broadcast_in_dim3A_304 = vector.shape_cast %add3A_302 : vector<1x128xf32> to vector<1x128xf32>
    %broadcast_in_dim3A_305 = vector.broadcast %broadcast_in_dim3A_304 : vector<1x128xf32> to vector<128x128xf32>
    %broadcast_in_dim3A_306 = vector.broadcast %jit3A_303 : f32 to vector<128x128xf32>
    %select_n3A_307 = arith.select %eq3A_298, %broadcast_in_dim3A_305, %broadcast_in_dim3A_306 : vector<128x128xi1>, vector<128x128xf32>
    %min3A_308 = arith.minimumf %min3A_294, %select_n3A_307 : vector<128x128xf32>
    %slice3A_309 = vector.extract_strided_slice %dot_general3A_83 {offsets = [0, 2048], sizes = [128, 128], strides = [1, 1]} : vector<128x12544xf32> to vector<128x128xf32>
    %eq3A_310 = arith.constant 0.000000e+00 : f32
    %eq3A_311 = vector.broadcast %eq3A_310 : f32 to vector<128x128xf32>
    %eq3A_312 = arith.cmpf oeq, %slice3A_309, %eq3A_311 : vector<128x128xf32>
    %add3A_313 = arith.constant 2.048000e+03 : f32
    %add3A_314 = arith.addf %convert_element_type3A_87, %add3A_313 : f32
    %add3A_315 = vector.broadcast %add3A_314 : f32 to vector<1x128xf32>
    %add3A_316 = arith.addf %convert_element_type3A_84, %add3A_315 : vector<1x128xf32>
    %jit3A_317 = arith.constant 0x4C000000 : f32
    %broadcast_in_dim3A_318 = vector.shape_cast %add3A_316 : vector<1x128xf32> to vector<1x128xf32>
    %broadcast_in_dim3A_319 = vector.broadcast %broadcast_in_dim3A_318 : vector<1x128xf32> to vector<128x128xf32>
    %broadcast_in_dim3A_320 = vector.broadcast %jit3A_317 : f32 to vector<128x128xf32>
    %select_n3A_321 = arith.select %eq3A_312, %broadcast_in_dim3A_319, %broadcast_in_dim3A_320 : vector<128x128xi1>, vector<128x128xf32>
    %min3A_322 = arith.minimumf %min3A_308, %select_n3A_321 : vector<128x128xf32>
    %slice3A_323 = vector.extract_strided_slice %dot_general3A_83 {offsets = [0, 2176], sizes = [128, 128], strides = [1, 1]} : vector<128x12544xf32> to vector<128x128xf32>
    %eq3A_324 = arith.constant 0.000000e+00 : f32
    %eq3A_325 = vector.broadcast %eq3A_324 : f32 to vector<128x128xf32>
    %eq3A_326 = arith.cmpf oeq, %slice3A_323, %eq3A_325 : vector<128x128xf32>
    %add3A_327 = arith.constant 2.176000e+03 : f32
    %add3A_328 = arith.addf %convert_element_type3A_87, %add3A_327 : f32
    %add3A_329 = vector.broadcast %add3A_328 : f32 to vector<1x128xf32>
    %add3A_330 = arith.addf %convert_element_type3A_84, %add3A_329 : vector<1x128xf32>
    %jit3A_331 = arith.constant 0x4C000000 : f32
    %broadcast_in_dim3A_332 = vector.shape_cast %add3A_330 : vector<1x128xf32> to vector<1x128xf32>
    %broadcast_in_dim3A_333 = vector.broadcast %broadcast_in_dim3A_332 : vector<1x128xf32> to vector<128x128xf32>
    %broadcast_in_dim3A_334 = vector.broadcast %jit3A_331 : f32 to vector<128x128xf32>
    %select_n3A_335 = arith.select %eq3A_326, %broadcast_in_dim3A_333, %broadcast_in_dim3A_334 : vector<128x128xi1>, vector<128x128xf32>
    %min3A_336 = arith.minimumf %min3A_322, %select_n3A_335 : vector<128x128xf32>
    %slice3A_337 = vector.extract_strided_slice %dot_general3A_83 {offsets = [0, 2304], sizes = [128, 128], strides = [1, 1]} : vector<128x12544xf32> to vector<128x128xf32>
    %eq3A_338 = arith.constant 0.000000e+00 : f32
    %eq3A_339 = vector.broadcast %eq3A_338 : f32 to vector<128x128xf32>
    %eq3A_340 = arith.cmpf oeq, %slice3A_337, %eq3A_339 : vector<128x128xf32>
    %add3A_341 = arith.constant 2.304000e+03 : f32
    %add3A_342 = arith.addf %convert_element_type3A_87, %add3A_341 : f32
    %add3A_343 = vector.broadcast %add3A_342 : f32 to vector<1x128xf32>
    %add3A_344 = arith.addf %convert_element_type3A_84, %add3A_343 : vector<1x128xf32>
    %jit3A_345 = arith.constant 0x4C000000 : f32
    %broadcast_in_dim3A_346 = vector.shape_cast %add3A_344 : vector<1x128xf32> to vector<1x128xf32>
    %broadcast_in_dim3A_347 = vector.broadcast %broadcast_in_dim3A_346 : vector<1x128xf32> to vector<128x128xf32>
    %broadcast_in_dim3A_348 = vector.broadcast %jit3A_345 : f32 to vector<128x128xf32>
    %select_n3A_349 = arith.select %eq3A_340, %broadcast_in_dim3A_347, %broadcast_in_dim3A_348 : vector<128x128xi1>, vector<128x128xf32>
    %min3A_350 = arith.minimumf %min3A_336, %select_n3A_349 : vector<128x128xf32>
    %slice3A_351 = vector.extract_strided_slice %dot_general3A_83 {offsets = [0, 2432], sizes = [128, 128], strides = [1, 1]} : vector<128x12544xf32> to vector<128x128xf32>
    %eq3A_352 = arith.constant 0.000000e+00 : f32
    %eq3A_353 = vector.broadcast %eq3A_352 : f32 to vector<128x128xf32>
    %eq3A_354 = arith.cmpf oeq, %slice3A_351, %eq3A_353 : vector<128x128xf32>
    %add3A_355 = arith.constant 2.432000e+03 : f32
    %add3A_356 = arith.addf %convert_element_type3A_87, %add3A_355 : f32
    %add3A_357 = vector.broadcast %add3A_356 : f32 to vector<1x128xf32>
    %add3A_358 = arith.addf %convert_element_type3A_84, %add3A_357 : vector<1x128xf32>
    %jit3A_359 = arith.constant 0x4C000000 : f32
    %broadcast_in_dim3A_360 = vector.shape_cast %add3A_358 : vector<1x128xf32> to vector<1x128xf32>
    %broadcast_in_dim3A_361 = vector.broadcast %broadcast_in_dim3A_360 : vector<1x128xf32> to vector<128x128xf32>
    %broadcast_in_dim3A_362 = vector.broadcast %jit3A_359 : f32 to vector<128x128xf32>
    %select_n3A_363 = arith.select %eq3A_354, %broadcast_in_dim3A_361, %broadcast_in_dim3A_362 : vector<128x128xi1>, vector<128x128xf32>
    %min3A_364 = arith.minimumf %min3A_350, %select_n3A_363 : vector<128x128xf32>
    %slice3A_365 = vector.extract_strided_slice %dot_general3A_83 {offsets = [0, 2560], sizes = [128, 128], strides = [1, 1]} : vector<128x12544xf32> to vector<128x128xf32>
    %eq3A_366 = arith.constant 0.000000e+00 : f32
    %eq3A_367 = vector.broadcast %eq3A_366 : f32 to vector<128x128xf32>
    %eq3A_368 = arith.cmpf oeq, %slice3A_365, %eq3A_367 : vector<128x128xf32>
    %add3A_369 = arith.constant 2.560000e+03 : f32
    %add3A_370 = arith.addf %convert_element_type3A_87, %add3A_369 : f32
    %add3A_371 = vector.broadcast %add3A_370 : f32 to vector<1x128xf32>
    %add3A_372 = arith.addf %convert_element_type3A_84, %add3A_371 : vector<1x128xf32>
    %jit3A_373 = arith.constant 0x4C000000 : f32
    %broadcast_in_dim3A_374 = vector.shape_cast %add3A_372 : vector<1x128xf32> to vector<1x128xf32>
    %broadcast_in_dim3A_375 = vector.broadcast %broadcast_in_dim3A_374 : vector<1x128xf32> to vector<128x128xf32>
    %broadcast_in_dim3A_376 = vector.broadcast %jit3A_373 : f32 to vector<128x128xf32>
    %select_n3A_377 = arith.select %eq3A_368, %broadcast_in_dim3A_375, %broadcast_in_dim3A_376 : vector<128x128xi1>, vector<128x128xf32>
    %min3A_378 = arith.minimumf %min3A_364, %select_n3A_377 : vector<128x128xf32>
    %slice3A_379 = vector.extract_strided_slice %dot_general3A_83 {offsets = [0, 2688], sizes = [128, 128], strides = [1, 1]} : vector<128x12544xf32> to vector<128x128xf32>
    %eq3A_380 = arith.constant 0.000000e+00 : f32
    %eq3A_381 = vector.broadcast %eq3A_380 : f32 to vector<128x128xf32>
    %eq3A_382 = arith.cmpf oeq, %slice3A_379, %eq3A_381 : vector<128x128xf32>
    %add3A_383 = arith.constant 2.688000e+03 : f32
    %add3A_384 = arith.addf %convert_element_type3A_87, %add3A_383 : f32
    %add3A_385 = vector.broadcast %add3A_384 : f32 to vector<1x128xf32>
    %add3A_386 = arith.addf %convert_element_type3A_84, %add3A_385 : vector<1x128xf32>
    %jit3A_387 = arith.constant 0x4C000000 : f32
    %broadcast_in_dim3A_388 = vector.shape_cast %add3A_386 : vector<1x128xf32> to vector<1x128xf32>
    %broadcast_in_dim3A_389 = vector.broadcast %broadcast_in_dim3A_388 : vector<1x128xf32> to vector<128x128xf32>
    %broadcast_in_dim3A_390 = vector.broadcast %jit3A_387 : f32 to vector<128x128xf32>
    %select_n3A_391 = arith.select %eq3A_382, %broadcast_in_dim3A_389, %broadcast_in_dim3A_390 : vector<128x128xi1>, vector<128x128xf32>
    %min3A_392 = arith.minimumf %min3A_378, %select_n3A_391 : vector<128x128xf32>
    %slice3A_393 = vector.extract_strided_slice %dot_general3A_83 {offsets = [0, 2816], sizes = [128, 128], strides = [1, 1]} : vector<128x12544xf32> to vector<128x128xf32>
    %eq3A_394 = arith.constant 0.000000e+00 : f32
    %eq3A_395 = vector.broadcast %eq3A_394 : f32 to vector<128x128xf32>
    %eq3A_396 = arith.cmpf oeq, %slice3A_393, %eq3A_395 : vector<128x128xf32>
    %add3A_397 = arith.constant 2.816000e+03 : f32
    %add3A_398 = arith.addf %convert_element_type3A_87, %add3A_397 : f32
    %add3A_399 = vector.broadcast %add3A_398 : f32 to vector<1x128xf32>
    %add3A_400 = arith.addf %convert_element_type3A_84, %add3A_399 : vector<1x128xf32>
    %jit3A_401 = arith.constant 0x4C000000 : f32
    %broadcast_in_dim3A_402 = vector.shape_cast %add3A_400 : vector<1x128xf32> to vector<1x128xf32>
    %broadcast_in_dim3A_403 = vector.broadcast %broadcast_in_dim3A_402 : vector<1x128xf32> to vector<128x128xf32>
    %broadcast_in_dim3A_404 = vector.broadcast %jit3A_401 : f32 to vector<128x128xf32>
    %select_n3A_405 = arith.select %eq3A_396, %broadcast_in_dim3A_403, %broadcast_in_dim3A_404 : vector<128x128xi1>, vector<128x128xf32>
    %min3A_406 = arith.minimumf %min3A_392, %select_n3A_405 : vector<128x128xf32>
    %slice3A_407 = vector.extract_strided_slice %dot_general3A_83 {offsets = [0, 2944], sizes = [128, 128], strides = [1, 1]} : vector<128x12544xf32> to vector<128x128xf32>
    %eq3A_408 = arith.constant 0.000000e+00 : f32
    %eq3A_409 = vector.broadcast %eq3A_408 : f32 to vector<128x128xf32>
    %eq3A_410 = arith.cmpf oeq, %slice3A_407, %eq3A_409 : vector<128x128xf32>
    %add3A_411 = arith.constant 2.944000e+03 : f32
    %add3A_412 = arith.addf %convert_element_type3A_87, %add3A_411 : f32
    %add3A_413 = vector.broadcast %add3A_412 : f32 to vector<1x128xf32>
    %add3A_414 = arith.addf %convert_element_type3A_84, %add3A_413 : vector<1x128xf32>
    %jit3A_415 = arith.constant 0x4C000000 : f32
    %broadcast_in_dim3A_416 = vector.shape_cast %add3A_414 : vector<1x128xf32> to vector<1x128xf32>
    %broadcast_in_dim3A_417 = vector.broadcast %broadcast_in_dim3A_416 : vector<1x128xf32> to vector<128x128xf32>
    %broadcast_in_dim3A_418 = vector.broadcast %jit3A_415 : f32 to vector<128x128xf32>
    %select_n3A_419 = arith.select %eq3A_410, %broadcast_in_dim3A_417, %broadcast_in_dim3A_418 : vector<128x128xi1>, vector<128x128xf32>
    %min3A_420 = arith.minimumf %min3A_406, %select_n3A_419 : vector<128x128xf32>
    %slice3A_421 = vector.extract_strided_slice %dot_general3A_83 {offsets = [0, 3072], sizes = [128, 128], strides = [1, 1]} : vector<128x12544xf32> to vector<128x128xf32>
    %eq3A_422 = arith.constant 0.000000e+00 : f32
    %eq3A_423 = vector.broadcast %eq3A_422 : f32 to vector<128x128xf32>
    %eq3A_424 = arith.cmpf oeq, %slice3A_421, %eq3A_423 : vector<128x128xf32>
    %add3A_425 = arith.constant 3.072000e+03 : f32
    %add3A_426 = arith.addf %convert_element_type3A_87, %add3A_425 : f32
    %add3A_427 = vector.broadcast %add3A_426 : f32 to vector<1x128xf32>
    %add3A_428 = arith.addf %convert_element_type3A_84, %add3A_427 : vector<1x128xf32>
    %jit3A_429 = arith.constant 0x4C000000 : f32
    %broadcast_in_dim3A_430 = vector.shape_cast %add3A_428 : vector<1x128xf32> to vector<1x128xf32>
    %broadcast_in_dim3A_431 = vector.broadcast %broadcast_in_dim3A_430 : vector<1x128xf32> to vector<128x128xf32>
    %broadcast_in_dim3A_432 = vector.broadcast %jit3A_429 : f32 to vector<128x128xf32>
    %select_n3A_433 = arith.select %eq3A_424, %broadcast_in_dim3A_431, %broadcast_in_dim3A_432 : vector<128x128xi1>, vector<128x128xf32>
    %min3A_434 = arith.minimumf %min3A_420, %select_n3A_433 : vector<128x128xf32>
    %slice3A_435 = vector.extract_strided_slice %dot_general3A_83 {offsets = [0, 3200], sizes = [128, 128], strides = [1, 1]} : vector<128x12544xf32> to vector<128x128xf32>
    %eq3A_436 = arith.constant 0.000000e+00 : f32
    %eq3A_437 = vector.broadcast %eq3A_436 : f32 to vector<128x128xf32>
    %eq3A_438 = arith.cmpf oeq, %slice3A_435, %eq3A_437 : vector<128x128xf32>
    %add3A_439 = arith.constant 3.200000e+03 : f32
    %add3A_440 = arith.addf %convert_element_type3A_87, %add3A_439 : f32
    %add3A_441 = vector.broadcast %add3A_440 : f32 to vector<1x128xf32>
    %add3A_442 = arith.addf %convert_element_type3A_84, %add3A_441 : vector<1x128xf32>
    %jit3A_443 = arith.constant 0x4C000000 : f32
    %broadcast_in_dim3A_444 = vector.shape_cast %add3A_442 : vector<1x128xf32> to vector<1x128xf32>
    %broadcast_in_dim3A_445 = vector.broadcast %broadcast_in_dim3A_444 : vector<1x128xf32> to vector<128x128xf32>
    %broadcast_in_dim3A_446 = vector.broadcast %jit3A_443 : f32 to vector<128x128xf32>
    %select_n3A_447 = arith.select %eq3A_438, %broadcast_in_dim3A_445, %broadcast_in_dim3A_446 : vector<128x128xi1>, vector<128x128xf32>
    %min3A_448 = arith.minimumf %min3A_434, %select_n3A_447 : vector<128x128xf32>
    %slice3A_449 = vector.extract_strided_slice %dot_general3A_83 {offsets = [0, 3328], sizes = [128, 128], strides = [1, 1]} : vector<128x12544xf32> to vector<128x128xf32>
    %eq3A_450 = arith.constant 0.000000e+00 : f32
    %eq3A_451 = vector.broadcast %eq3A_450 : f32 to vector<128x128xf32>
    %eq3A_452 = arith.cmpf oeq, %slice3A_449, %eq3A_451 : vector<128x128xf32>
    %add3A_453 = arith.constant 3.328000e+03 : f32
    %add3A_454 = arith.addf %convert_element_type3A_87, %add3A_453 : f32
    %add3A_455 = vector.broadcast %add3A_454 : f32 to vector<1x128xf32>
    %add3A_456 = arith.addf %convert_element_type3A_84, %add3A_455 : vector<1x128xf32>
    %jit3A_457 = arith.constant 0x4C000000 : f32
    %broadcast_in_dim3A_458 = vector.shape_cast %add3A_456 : vector<1x128xf32> to vector<1x128xf32>
    %broadcast_in_dim3A_459 = vector.broadcast %broadcast_in_dim3A_458 : vector<1x128xf32> to vector<128x128xf32>
    %broadcast_in_dim3A_460 = vector.broadcast %jit3A_457 : f32 to vector<128x128xf32>
    %select_n3A_461 = arith.select %eq3A_452, %broadcast_in_dim3A_459, %broadcast_in_dim3A_460 : vector<128x128xi1>, vector<128x128xf32>
    %min3A_462 = arith.minimumf %min3A_448, %select_n3A_461 : vector<128x128xf32>
    %slice3A_463 = vector.extract_strided_slice %dot_general3A_83 {offsets = [0, 3456], sizes = [128, 128], strides = [1, 1]} : vector<128x12544xf32> to vector<128x128xf32>
    %eq3A_464 = arith.constant 0.000000e+00 : f32
    %eq3A_465 = vector.broadcast %eq3A_464 : f32 to vector<128x128xf32>
    %eq3A_466 = arith.cmpf oeq, %slice3A_463, %eq3A_465 : vector<128x128xf32>
    %add3A_467 = arith.constant 3.456000e+03 : f32
    %add3A_468 = arith.addf %convert_element_type3A_87, %add3A_467 : f32
    %add3A_469 = vector.broadcast %add3A_468 : f32 to vector<1x128xf32>
    %add3A_470 = arith.addf %convert_element_type3A_84, %add3A_469 : vector<1x128xf32>
    %jit3A_471 = arith.constant 0x4C000000 : f32
    %broadcast_in_dim3A_472 = vector.shape_cast %add3A_470 : vector<1x128xf32> to vector<1x128xf32>
    %broadcast_in_dim3A_473 = vector.broadcast %broadcast_in_dim3A_472 : vector<1x128xf32> to vector<128x128xf32>
    %broadcast_in_dim3A_474 = vector.broadcast %jit3A_471 : f32 to vector<128x128xf32>
    %select_n3A_475 = arith.select %eq3A_466, %broadcast_in_dim3A_473, %broadcast_in_dim3A_474 : vector<128x128xi1>, vector<128x128xf32>
    %min3A_476 = arith.minimumf %min3A_462, %select_n3A_475 : vector<128x128xf32>
    %slice3A_477 = vector.extract_strided_slice %dot_general3A_83 {offsets = [0, 3584], sizes = [128, 128], strides = [1, 1]} : vector<128x12544xf32> to vector<128x128xf32>
    %eq3A_478 = arith.constant 0.000000e+00 : f32
    %eq3A_479 = vector.broadcast %eq3A_478 : f32 to vector<128x128xf32>
    %eq3A_480 = arith.cmpf oeq, %slice3A_477, %eq3A_479 : vector<128x128xf32>
    %add3A_481 = arith.constant 3.584000e+03 : f32
    %add3A_482 = arith.addf %convert_element_type3A_87, %add3A_481 : f32
    %add3A_483 = vector.broadcast %add3A_482 : f32 to vector<1x128xf32>
    %add3A_484 = arith.addf %convert_element_type3A_84, %add3A_483 : vector<1x128xf32>
    %jit3A_485 = arith.constant 0x4C000000 : f32
    %broadcast_in_dim3A_486 = vector.shape_cast %add3A_484 : vector<1x128xf32> to vector<1x128xf32>
    %broadcast_in_dim3A_487 = vector.broadcast %broadcast_in_dim3A_486 : vector<1x128xf32> to vector<128x128xf32>
    %broadcast_in_dim3A_488 = vector.broadcast %jit3A_485 : f32 to vector<128x128xf32>
    %select_n3A_489 = arith.select %eq3A_480, %broadcast_in_dim3A_487, %broadcast_in_dim3A_488 : vector<128x128xi1>, vector<128x128xf32>
    %min3A_490 = arith.minimumf %min3A_476, %select_n3A_489 : vector<128x128xf32>
    %slice3A_491 = vector.extract_strided_slice %dot_general3A_83 {offsets = [0, 3712], sizes = [128, 128], strides = [1, 1]} : vector<128x12544xf32> to vector<128x128xf32>
    %eq3A_492 = arith.constant 0.000000e+00 : f32
    %eq3A_493 = vector.broadcast %eq3A_492 : f32 to vector<128x128xf32>
    %eq3A_494 = arith.cmpf oeq, %slice3A_491, %eq3A_493 : vector<128x128xf32>
    %add3A_495 = arith.constant 3.712000e+03 : f32
    %add3A_496 = arith.addf %convert_element_type3A_87, %add3A_495 : f32
    %add3A_497 = vector.broadcast %add3A_496 : f32 to vector<1x128xf32>
    %add3A_498 = arith.addf %convert_element_type3A_84, %add3A_497 : vector<1x128xf32>
    %jit3A_499 = arith.constant 0x4C000000 : f32
    %broadcast_in_dim3A_500 = vector.shape_cast %add3A_498 : vector<1x128xf32> to vector<1x128xf32>
    %broadcast_in_dim3A_501 = vector.broadcast %broadcast_in_dim3A_500 : vector<1x128xf32> to vector<128x128xf32>
    %broadcast_in_dim3A_502 = vector.broadcast %jit3A_499 : f32 to vector<128x128xf32>
    %select_n3A_503 = arith.select %eq3A_494, %broadcast_in_dim3A_501, %broadcast_in_dim3A_502 : vector<128x128xi1>, vector<128x128xf32>
    %min3A_504 = arith.minimumf %min3A_490, %select_n3A_503 : vector<128x128xf32>
    %slice3A_505 = vector.extract_strided_slice %dot_general3A_83 {offsets = [0, 3840], sizes = [128, 128], strides = [1, 1]} : vector<128x12544xf32> to vector<128x128xf32>
    %eq3A_506 = arith.constant 0.000000e+00 : f32
    %eq3A_507 = vector.broadcast %eq3A_506 : f32 to vector<128x128xf32>
    %eq3A_508 = arith.cmpf oeq, %slice3A_505, %eq3A_507 : vector<128x128xf32>
    %add3A_509 = arith.constant 3.840000e+03 : f32
    %add3A_510 = arith.addf %convert_element_type3A_87, %add3A_509 : f32
    %add3A_511 = vector.broadcast %add3A_510 : f32 to vector<1x128xf32>
    %add3A_512 = arith.addf %convert_element_type3A_84, %add3A_511 : vector<1x128xf32>
    %jit3A_513 = arith.constant 0x4C000000 : f32
    %broadcast_in_dim3A_514 = vector.shape_cast %add3A_512 : vector<1x128xf32> to vector<1x128xf32>
    %broadcast_in_dim3A_515 = vector.broadcast %broadcast_in_dim3A_514 : vector<1x128xf32> to vector<128x128xf32>
    %broadcast_in_dim3A_516 = vector.broadcast %jit3A_513 : f32 to vector<128x128xf32>
    %select_n3A_517 = arith.select %eq3A_508, %broadcast_in_dim3A_515, %broadcast_in_dim3A_516 : vector<128x128xi1>, vector<128x128xf32>
    %min3A_518 = arith.minimumf %min3A_504, %select_n3A_517 : vector<128x128xf32>
    %slice3A_519 = vector.extract_strided_slice %dot_general3A_83 {offsets = [0, 3968], sizes = [128, 128], strides = [1, 1]} : vector<128x12544xf32> to vector<128x128xf32>
    %eq3A_520 = arith.constant 0.000000e+00 : f32
    %eq3A_521 = vector.broadcast %eq3A_520 : f32 to vector<128x128xf32>
    %eq3A_522 = arith.cmpf oeq, %slice3A_519, %eq3A_521 : vector<128x128xf32>
    %add3A_523 = arith.constant 3.968000e+03 : f32
    %add3A_524 = arith.addf %convert_element_type3A_87, %add3A_523 : f32
    %add3A_525 = vector.broadcast %add3A_524 : f32 to vector<1x128xf32>
    %add3A_526 = arith.addf %convert_element_type3A_84, %add3A_525 : vector<1x128xf32>
    %jit3A_527 = arith.constant 0x4C000000 : f32
    %broadcast_in_dim3A_528 = vector.shape_cast %add3A_526 : vector<1x128xf32> to vector<1x128xf32>
    %broadcast_in_dim3A_529 = vector.broadcast %broadcast_in_dim3A_528 : vector<1x128xf32> to vector<128x128xf32>
    %broadcast_in_dim3A_530 = vector.broadcast %jit3A_527 : f32 to vector<128x128xf32>
    %select_n3A_531 = arith.select %eq3A_522, %broadcast_in_dim3A_529, %broadcast_in_dim3A_530 : vector<128x128xi1>, vector<128x128xf32>
    %min3A_532 = arith.minimumf %min3A_518, %select_n3A_531 : vector<128x128xf32>
    %slice3A_533 = vector.extract_strided_slice %dot_general3A_83 {offsets = [0, 4096], sizes = [128, 128], strides = [1, 1]} : vector<128x12544xf32> to vector<128x128xf32>
    %eq3A_534 = arith.constant 0.000000e+00 : f32
    %eq3A_535 = vector.broadcast %eq3A_534 : f32 to vector<128x128xf32>
    %eq3A_536 = arith.cmpf oeq, %slice3A_533, %eq3A_535 : vector<128x128xf32>
    %add3A_537 = arith.constant 4.096000e+03 : f32
    %add3A_538 = arith.addf %convert_element_type3A_87, %add3A_537 : f32
    %add3A_539 = vector.broadcast %add3A_538 : f32 to vector<1x128xf32>
    %add3A_540 = arith.addf %convert_element_type3A_84, %add3A_539 : vector<1x128xf32>
    %jit3A_541 = arith.constant 0x4C000000 : f32
    %broadcast_in_dim3A_542 = vector.shape_cast %add3A_540 : vector<1x128xf32> to vector<1x128xf32>
    %broadcast_in_dim3A_543 = vector.broadcast %broadcast_in_dim3A_542 : vector<1x128xf32> to vector<128x128xf32>
    %broadcast_in_dim3A_544 = vector.broadcast %jit3A_541 : f32 to vector<128x128xf32>
    %select_n3A_545 = arith.select %eq3A_536, %broadcast_in_dim3A_543, %broadcast_in_dim3A_544 : vector<128x128xi1>, vector<128x128xf32>
    %min3A_546 = arith.minimumf %min3A_532, %select_n3A_545 : vector<128x128xf32>
    %slice3A_547 = vector.extract_strided_slice %dot_general3A_83 {offsets = [0, 4224], sizes = [128, 128], strides = [1, 1]} : vector<128x12544xf32> to vector<128x128xf32>
    %eq3A_548 = arith.constant 0.000000e+00 : f32
    %eq3A_549 = vector.broadcast %eq3A_548 : f32 to vector<128x128xf32>
    %eq3A_550 = arith.cmpf oeq, %slice3A_547, %eq3A_549 : vector<128x128xf32>
    %add3A_551 = arith.constant 4.224000e+03 : f32
    %add3A_552 = arith.addf %convert_element_type3A_87, %add3A_551 : f32
    %add3A_553 = vector.broadcast %add3A_552 : f32 to vector<1x128xf32>
    %add3A_554 = arith.addf %convert_element_type3A_84, %add3A_553 : vector<1x128xf32>
    %jit3A_555 = arith.constant 0x4C000000 : f32
    %broadcast_in_dim3A_556 = vector.shape_cast %add3A_554 : vector<1x128xf32> to vector<1x128xf32>
    %broadcast_in_dim3A_557 = vector.broadcast %broadcast_in_dim3A_556 : vector<1x128xf32> to vector<128x128xf32>
    %broadcast_in_dim3A_558 = vector.broadcast %jit3A_555 : f32 to vector<128x128xf32>
    %select_n3A_559 = arith.select %eq3A_550, %broadcast_in_dim3A_557, %broadcast_in_dim3A_558 : vector<128x128xi1>, vector<128x128xf32>
    %min3A_560 = arith.minimumf %min3A_546, %select_n3A_559 : vector<128x128xf32>
    %slice3A_561 = vector.extract_strided_slice %dot_general3A_83 {offsets = [0, 4352], sizes = [128, 128], strides = [1, 1]} : vector<128x12544xf32> to vector<128x128xf32>
    %eq3A_562 = arith.constant 0.000000e+00 : f32
    %eq3A_563 = vector.broadcast %eq3A_562 : f32 to vector<128x128xf32>
    %eq3A_564 = arith.cmpf oeq, %slice3A_561, %eq3A_563 : vector<128x128xf32>
    %add3A_565 = arith.constant 4.352000e+03 : f32
    %add3A_566 = arith.addf %convert_element_type3A_87, %add3A_565 : f32
    %add3A_567 = vector.broadcast %add3A_566 : f32 to vector<1x128xf32>
    %add3A_568 = arith.addf %convert_element_type3A_84, %add3A_567 : vector<1x128xf32>
    %jit3A_569 = arith.constant 0x4C000000 : f32
    %broadcast_in_dim3A_570 = vector.shape_cast %add3A_568 : vector<1x128xf32> to vector<1x128xf32>
    %broadcast_in_dim3A_571 = vector.broadcast %broadcast_in_dim3A_570 : vector<1x128xf32> to vector<128x128xf32>
    %broadcast_in_dim3A_572 = vector.broadcast %jit3A_569 : f32 to vector<128x128xf32>
    %select_n3A_573 = arith.select %eq3A_564, %broadcast_in_dim3A_571, %broadcast_in_dim3A_572 : vector<128x128xi1>, vector<128x128xf32>
    %min3A_574 = arith.minimumf %min3A_560, %select_n3A_573 : vector<128x128xf32>
    %slice3A_575 = vector.extract_strided_slice %dot_general3A_83 {offsets = [0, 4480], sizes = [128, 128], strides = [1, 1]} : vector<128x12544xf32> to vector<128x128xf32>
    %eq3A_576 = arith.constant 0.000000e+00 : f32
    %eq3A_577 = vector.broadcast %eq3A_576 : f32 to vector<128x128xf32>
    %eq3A_578 = arith.cmpf oeq, %slice3A_575, %eq3A_577 : vector<128x128xf32>
    %add3A_579 = arith.constant 4.480000e+03 : f32
    %add3A_580 = arith.addf %convert_element_type3A_87, %add3A_579 : f32
    %add3A_581 = vector.broadcast %add3A_580 : f32 to vector<1x128xf32>
    %add3A_582 = arith.addf %convert_element_type3A_84, %add3A_581 : vector<1x128xf32>
    %jit3A_583 = arith.constant 0x4C000000 : f32
    %broadcast_in_dim3A_584 = vector.shape_cast %add3A_582 : vector<1x128xf32> to vector<1x128xf32>
    %broadcast_in_dim3A_585 = vector.broadcast %broadcast_in_dim3A_584 : vector<1x128xf32> to vector<128x128xf32>
    %broadcast_in_dim3A_586 = vector.broadcast %jit3A_583 : f32 to vector<128x128xf32>
    %select_n3A_587 = arith.select %eq3A_578, %broadcast_in_dim3A_585, %broadcast_in_dim3A_586 : vector<128x128xi1>, vector<128x128xf32>
    %min3A_588 = arith.minimumf %min3A_574, %select_n3A_587 : vector<128x128xf32>
    %slice3A_589 = vector.extract_strided_slice %dot_general3A_83 {offsets = [0, 4608], sizes = [128, 128], strides = [1, 1]} : vector<128x12544xf32> to vector<128x128xf32>
    %eq3A_590 = arith.constant 0.000000e+00 : f32
    %eq3A_591 = vector.broadcast %eq3A_590 : f32 to vector<128x128xf32>
    %eq3A_592 = arith.cmpf oeq, %slice3A_589, %eq3A_591 : vector<128x128xf32>
    %add3A_593 = arith.constant 4.608000e+03 : f32
    %add3A_594 = arith.addf %convert_element_type3A_87, %add3A_593 : f32
    %add3A_595 = vector.broadcast %add3A_594 : f32 to vector<1x128xf32>
    %add3A_596 = arith.addf %convert_element_type3A_84, %add3A_595 : vector<1x128xf32>
    %jit3A_597 = arith.constant 0x4C000000 : f32
    %broadcast_in_dim3A_598 = vector.shape_cast %add3A_596 : vector<1x128xf32> to vector<1x128xf32>
    %broadcast_in_dim3A_599 = vector.broadcast %broadcast_in_dim3A_598 : vector<1x128xf32> to vector<128x128xf32>
    %broadcast_in_dim3A_600 = vector.broadcast %jit3A_597 : f32 to vector<128x128xf32>
    %select_n3A_601 = arith.select %eq3A_592, %broadcast_in_dim3A_599, %broadcast_in_dim3A_600 : vector<128x128xi1>, vector<128x128xf32>
    %min3A_602 = arith.minimumf %min3A_588, %select_n3A_601 : vector<128x128xf32>
    %slice3A_603 = vector.extract_strided_slice %dot_general3A_83 {offsets = [0, 4736], sizes = [128, 128], strides = [1, 1]} : vector<128x12544xf32> to vector<128x128xf32>
    %eq3A_604 = arith.constant 0.000000e+00 : f32
    %eq3A_605 = vector.broadcast %eq3A_604 : f32 to vector<128x128xf32>
    %eq3A_606 = arith.cmpf oeq, %slice3A_603, %eq3A_605 : vector<128x128xf32>
    %add3A_607 = arith.constant 4.736000e+03 : f32
    %add3A_608 = arith.addf %convert_element_type3A_87, %add3A_607 : f32
    %add3A_609 = vector.broadcast %add3A_608 : f32 to vector<1x128xf32>
    %add3A_610 = arith.addf %convert_element_type3A_84, %add3A_609 : vector<1x128xf32>
    %jit3A_611 = arith.constant 0x4C000000 : f32
    %broadcast_in_dim3A_612 = vector.shape_cast %add3A_610 : vector<1x128xf32> to vector<1x128xf32>
    %broadcast_in_dim3A_613 = vector.broadcast %broadcast_in_dim3A_612 : vector<1x128xf32> to vector<128x128xf32>
    %broadcast_in_dim3A_614 = vector.broadcast %jit3A_611 : f32 to vector<128x128xf32>
    %select_n3A_615 = arith.select %eq3A_606, %broadcast_in_dim3A_613, %broadcast_in_dim3A_614 : vector<128x128xi1>, vector<128x128xf32>
    %min3A_616 = arith.minimumf %min3A_602, %select_n3A_615 : vector<128x128xf32>
    %slice3A_617 = vector.extract_strided_slice %dot_general3A_83 {offsets = [0, 4864], sizes = [128, 128], strides = [1, 1]} : vector<128x12544xf32> to vector<128x128xf32>
    %eq3A_618 = arith.constant 0.000000e+00 : f32
    %eq3A_619 = vector.broadcast %eq3A_618 : f32 to vector<128x128xf32>
    %eq3A_620 = arith.cmpf oeq, %slice3A_617, %eq3A_619 : vector<128x128xf32>
    %add3A_621 = arith.constant 4.864000e+03 : f32
    %add3A_622 = arith.addf %convert_element_type3A_87, %add3A_621 : f32
    %add3A_623 = vector.broadcast %add3A_622 : f32 to vector<1x128xf32>
    %add3A_624 = arith.addf %convert_element_type3A_84, %add3A_623 : vector<1x128xf32>
    %jit3A_625 = arith.constant 0x4C000000 : f32
    %broadcast_in_dim3A_626 = vector.shape_cast %add3A_624 : vector<1x128xf32> to vector<1x128xf32>
    %broadcast_in_dim3A_627 = vector.broadcast %broadcast_in_dim3A_626 : vector<1x128xf32> to vector<128x128xf32>
    %broadcast_in_dim3A_628 = vector.broadcast %jit3A_625 : f32 to vector<128x128xf32>
    %select_n3A_629 = arith.select %eq3A_620, %broadcast_in_dim3A_627, %broadcast_in_dim3A_628 : vector<128x128xi1>, vector<128x128xf32>
    %min3A_630 = arith.minimumf %min3A_616, %select_n3A_629 : vector<128x128xf32>
    %slice3A_631 = vector.extract_strided_slice %dot_general3A_83 {offsets = [0, 4992], sizes = [128, 128], strides = [1, 1]} : vector<128x12544xf32> to vector<128x128xf32>
    %eq3A_632 = arith.constant 0.000000e+00 : f32
    %eq3A_633 = vector.broadcast %eq3A_632 : f32 to vector<128x128xf32>
    %eq3A_634 = arith.cmpf oeq, %slice3A_631, %eq3A_633 : vector<128x128xf32>
    %add3A_635 = arith.constant 4.992000e+03 : f32
    %add3A_636 = arith.addf %convert_element_type3A_87, %add3A_635 : f32
    %add3A_637 = vector.broadcast %add3A_636 : f32 to vector<1x128xf32>
    %add3A_638 = arith.addf %convert_element_type3A_84, %add3A_637 : vector<1x128xf32>
    %jit3A_639 = arith.constant 0x4C000000 : f32
    %broadcast_in_dim3A_640 = vector.shape_cast %add3A_638 : vector<1x128xf32> to vector<1x128xf32>
    %broadcast_in_dim3A_641 = vector.broadcast %broadcast_in_dim3A_640 : vector<1x128xf32> to vector<128x128xf32>
    %broadcast_in_dim3A_642 = vector.broadcast %jit3A_639 : f32 to vector<128x128xf32>
    %select_n3A_643 = arith.select %eq3A_634, %broadcast_in_dim3A_641, %broadcast_in_dim3A_642 : vector<128x128xi1>, vector<128x128xf32>
    %min3A_644 = arith.minimumf %min3A_630, %select_n3A_643 : vector<128x128xf32>
    %slice3A_645 = vector.extract_strided_slice %dot_general3A_83 {offsets = [0, 5120], sizes = [128, 128], strides = [1, 1]} : vector<128x12544xf32> to vector<128x128xf32>
    %eq3A_646 = arith.constant 0.000000e+00 : f32
    %eq3A_647 = vector.broadcast %eq3A_646 : f32 to vector<128x128xf32>
    %eq3A_648 = arith.cmpf oeq, %slice3A_645, %eq3A_647 : vector<128x128xf32>
    %add3A_649 = arith.constant 5.120000e+03 : f32
    %add3A_650 = arith.addf %convert_element_type3A_87, %add3A_649 : f32
    %add3A_651 = vector.broadcast %add3A_650 : f32 to vector<1x128xf32>
    %add3A_652 = arith.addf %convert_element_type3A_84, %add3A_651 : vector<1x128xf32>
    %jit3A_653 = arith.constant 0x4C000000 : f32
    %broadcast_in_dim3A_654 = vector.shape_cast %add3A_652 : vector<1x128xf32> to vector<1x128xf32>
    %broadcast_in_dim3A_655 = vector.broadcast %broadcast_in_dim3A_654 : vector<1x128xf32> to vector<128x128xf32>
    %broadcast_in_dim3A_656 = vector.broadcast %jit3A_653 : f32 to vector<128x128xf32>
    %select_n3A_657 = arith.select %eq3A_648, %broadcast_in_dim3A_655, %broadcast_in_dim3A_656 : vector<128x128xi1>, vector<128x128xf32>
    %min3A_658 = arith.minimumf %min3A_644, %select_n3A_657 : vector<128x128xf32>
    %slice3A_659 = vector.extract_strided_slice %dot_general3A_83 {offsets = [0, 5248], sizes = [128, 128], strides = [1, 1]} : vector<128x12544xf32> to vector<128x128xf32>
    %eq3A_660 = arith.constant 0.000000e+00 : f32
    %eq3A_661 = vector.broadcast %eq3A_660 : f32 to vector<128x128xf32>
    %eq3A_662 = arith.cmpf oeq, %slice3A_659, %eq3A_661 : vector<128x128xf32>
    %add3A_663 = arith.constant 5.248000e+03 : f32
    %add3A_664 = arith.addf %convert_element_type3A_87, %add3A_663 : f32
    %add3A_665 = vector.broadcast %add3A_664 : f32 to vector<1x128xf32>
    %add3A_666 = arith.addf %convert_element_type3A_84, %add3A_665 : vector<1x128xf32>
    %jit3A_667 = arith.constant 0x4C000000 : f32
    %broadcast_in_dim3A_668 = vector.shape_cast %add3A_666 : vector<1x128xf32> to vector<1x128xf32>
    %broadcast_in_dim3A_669 = vector.broadcast %broadcast_in_dim3A_668 : vector<1x128xf32> to vector<128x128xf32>
    %broadcast_in_dim3A_670 = vector.broadcast %jit3A_667 : f32 to vector<128x128xf32>
    %select_n3A_671 = arith.select %eq3A_662, %broadcast_in_dim3A_669, %broadcast_in_dim3A_670 : vector<128x128xi1>, vector<128x128xf32>
    %min3A_672 = arith.minimumf %min3A_658, %select_n3A_671 : vector<128x128xf32>
    %slice3A_673 = vector.extract_strided_slice %dot_general3A_83 {offsets = [0, 5376], sizes = [128, 128], strides = [1, 1]} : vector<128x12544xf32> to vector<128x128xf32>
    %eq3A_674 = arith.constant 0.000000e+00 : f32
    %eq3A_675 = vector.broadcast %eq3A_674 : f32 to vector<128x128xf32>
    %eq3A_676 = arith.cmpf oeq, %slice3A_673, %eq3A_675 : vector<128x128xf32>
    %add3A_677 = arith.constant 5.376000e+03 : f32
    %add3A_678 = arith.addf %convert_element_type3A_87, %add3A_677 : f32
    %add3A_679 = vector.broadcast %add3A_678 : f32 to vector<1x128xf32>
    %add3A_680 = arith.addf %convert_element_type3A_84, %add3A_679 : vector<1x128xf32>
    %jit3A_681 = arith.constant 0x4C000000 : f32
    %broadcast_in_dim3A_682 = vector.shape_cast %add3A_680 : vector<1x128xf32> to vector<1x128xf32>
    %broadcast_in_dim3A_683 = vector.broadcast %broadcast_in_dim3A_682 : vector<1x128xf32> to vector<128x128xf32>
    %broadcast_in_dim3A_684 = vector.broadcast %jit3A_681 : f32 to vector<128x128xf32>
    %select_n3A_685 = arith.select %eq3A_676, %broadcast_in_dim3A_683, %broadcast_in_dim3A_684 : vector<128x128xi1>, vector<128x128xf32>
    %min3A_686 = arith.minimumf %min3A_672, %select_n3A_685 : vector<128x128xf32>
    %slice3A_687 = vector.extract_strided_slice %dot_general3A_83 {offsets = [0, 5504], sizes = [128, 128], strides = [1, 1]} : vector<128x12544xf32> to vector<128x128xf32>
    %eq3A_688 = arith.constant 0.000000e+00 : f32
    %eq3A_689 = vector.broadcast %eq3A_688 : f32 to vector<128x128xf32>
    %eq3A_690 = arith.cmpf oeq, %slice3A_687, %eq3A_689 : vector<128x128xf32>
    %add3A_691 = arith.constant 5.504000e+03 : f32
    %add3A_692 = arith.addf %convert_element_type3A_87, %add3A_691 : f32
    %add3A_693 = vector.broadcast %add3A_692 : f32 to vector<1x128xf32>
    %add3A_694 = arith.addf %convert_element_type3A_84, %add3A_693 : vector<1x128xf32>
    %jit3A_695 = arith.constant 0x4C000000 : f32
    %broadcast_in_dim3A_696 = vector.shape_cast %add3A_694 : vector<1x128xf32> to vector<1x128xf32>
    %broadcast_in_dim3A_697 = vector.broadcast %broadcast_in_dim3A_696 : vector<1x128xf32> to vector<128x128xf32>
    %broadcast_in_dim3A_698 = vector.broadcast %jit3A_695 : f32 to vector<128x128xf32>
    %select_n3A_699 = arith.select %eq3A_690, %broadcast_in_dim3A_697, %broadcast_in_dim3A_698 : vector<128x128xi1>, vector<128x128xf32>
    %min3A_700 = arith.minimumf %min3A_686, %select_n3A_699 : vector<128x128xf32>
    %slice3A_701 = vector.extract_strided_slice %dot_general3A_83 {offsets = [0, 5632], sizes = [128, 128], strides = [1, 1]} : vector<128x12544xf32> to vector<128x128xf32>
    %eq3A_702 = arith.constant 0.000000e+00 : f32
    %eq3A_703 = vector.broadcast %eq3A_702 : f32 to vector<128x128xf32>
    %eq3A_704 = arith.cmpf oeq, %slice3A_701, %eq3A_703 : vector<128x128xf32>
    %add3A_705 = arith.constant 5.632000e+03 : f32
    %add3A_706 = arith.addf %convert_element_type3A_87, %add3A_705 : f32
    %add3A_707 = vector.broadcast %add3A_706 : f32 to vector<1x128xf32>
    %add3A_708 = arith.addf %convert_element_type3A_84, %add3A_707 : vector<1x128xf32>
    %jit3A_709 = arith.constant 0x4C000000 : f32
    %broadcast_in_dim3A_710 = vector.shape_cast %add3A_708 : vector<1x128xf32> to vector<1x128xf32>
    %broadcast_in_dim3A_711 = vector.broadcast %broadcast_in_dim3A_710 : vector<1x128xf32> to vector<128x128xf32>
    %broadcast_in_dim3A_712 = vector.broadcast %jit3A_709 : f32 to vector<128x128xf32>
    %select_n3A_713 = arith.select %eq3A_704, %broadcast_in_dim3A_711, %broadcast_in_dim3A_712 : vector<128x128xi1>, vector<128x128xf32>
    %min3A_714 = arith.minimumf %min3A_700, %select_n3A_713 : vector<128x128xf32>
    %slice3A_715 = vector.extract_strided_slice %dot_general3A_83 {offsets = [0, 5760], sizes = [128, 128], strides = [1, 1]} : vector<128x12544xf32> to vector<128x128xf32>
    %eq3A_716 = arith.constant 0.000000e+00 : f32
    %eq3A_717 = vector.broadcast %eq3A_716 : f32 to vector<128x128xf32>
    %eq3A_718 = arith.cmpf oeq, %slice3A_715, %eq3A_717 : vector<128x128xf32>
    %add3A_719 = arith.constant 5.760000e+03 : f32
    %add3A_720 = arith.addf %convert_element_type3A_87, %add3A_719 : f32
    %add3A_721 = vector.broadcast %add3A_720 : f32 to vector<1x128xf32>
    %add3A_722 = arith.addf %convert_element_type3A_84, %add3A_721 : vector<1x128xf32>
    %jit3A_723 = arith.constant 0x4C000000 : f32
    %broadcast_in_dim3A_724 = vector.shape_cast %add3A_722 : vector<1x128xf32> to vector<1x128xf32>
    %broadcast_in_dim3A_725 = vector.broadcast %broadcast_in_dim3A_724 : vector<1x128xf32> to vector<128x128xf32>
    %broadcast_in_dim3A_726 = vector.broadcast %jit3A_723 : f32 to vector<128x128xf32>
    %select_n3A_727 = arith.select %eq3A_718, %broadcast_in_dim3A_725, %broadcast_in_dim3A_726 : vector<128x128xi1>, vector<128x128xf32>
    %min3A_728 = arith.minimumf %min3A_714, %select_n3A_727 : vector<128x128xf32>
    %slice3A_729 = vector.extract_strided_slice %dot_general3A_83 {offsets = [0, 5888], sizes = [128, 128], strides = [1, 1]} : vector<128x12544xf32> to vector<128x128xf32>
    %eq3A_730 = arith.constant 0.000000e+00 : f32
    %eq3A_731 = vector.broadcast %eq3A_730 : f32 to vector<128x128xf32>
    %eq3A_732 = arith.cmpf oeq, %slice3A_729, %eq3A_731 : vector<128x128xf32>
    %add3A_733 = arith.constant 5.888000e+03 : f32
    %add3A_734 = arith.addf %convert_element_type3A_87, %add3A_733 : f32
    %add3A_735 = vector.broadcast %add3A_734 : f32 to vector<1x128xf32>
    %add3A_736 = arith.addf %convert_element_type3A_84, %add3A_735 : vector<1x128xf32>
    %jit3A_737 = arith.constant 0x4C000000 : f32
    %broadcast_in_dim3A_738 = vector.shape_cast %add3A_736 : vector<1x128xf32> to vector<1x128xf32>
    %broadcast_in_dim3A_739 = vector.broadcast %broadcast_in_dim3A_738 : vector<1x128xf32> to vector<128x128xf32>
    %broadcast_in_dim3A_740 = vector.broadcast %jit3A_737 : f32 to vector<128x128xf32>
    %select_n3A_741 = arith.select %eq3A_732, %broadcast_in_dim3A_739, %broadcast_in_dim3A_740 : vector<128x128xi1>, vector<128x128xf32>
    %min3A_742 = arith.minimumf %min3A_728, %select_n3A_741 : vector<128x128xf32>
    %slice3A_743 = vector.extract_strided_slice %dot_general3A_83 {offsets = [0, 6016], sizes = [128, 128], strides = [1, 1]} : vector<128x12544xf32> to vector<128x128xf32>
    %eq3A_744 = arith.constant 0.000000e+00 : f32
    %eq3A_745 = vector.broadcast %eq3A_744 : f32 to vector<128x128xf32>
    %eq3A_746 = arith.cmpf oeq, %slice3A_743, %eq3A_745 : vector<128x128xf32>
    %add3A_747 = arith.constant 6.016000e+03 : f32
    %add3A_748 = arith.addf %convert_element_type3A_87, %add3A_747 : f32
    %add3A_749 = vector.broadcast %add3A_748 : f32 to vector<1x128xf32>
    %add3A_750 = arith.addf %convert_element_type3A_84, %add3A_749 : vector<1x128xf32>
    %jit3A_751 = arith.constant 0x4C000000 : f32
    %broadcast_in_dim3A_752 = vector.shape_cast %add3A_750 : vector<1x128xf32> to vector<1x128xf32>
    %broadcast_in_dim3A_753 = vector.broadcast %broadcast_in_dim3A_752 : vector<1x128xf32> to vector<128x128xf32>
    %broadcast_in_dim3A_754 = vector.broadcast %jit3A_751 : f32 to vector<128x128xf32>
    %select_n3A_755 = arith.select %eq3A_746, %broadcast_in_dim3A_753, %broadcast_in_dim3A_754 : vector<128x128xi1>, vector<128x128xf32>
    %min3A_756 = arith.minimumf %min3A_742, %select_n3A_755 : vector<128x128xf32>
    %slice3A_757 = vector.extract_strided_slice %dot_general3A_83 {offsets = [0, 6144], sizes = [128, 128], strides = [1, 1]} : vector<128x12544xf32> to vector<128x128xf32>
    %eq3A_758 = arith.constant 0.000000e+00 : f32
    %eq3A_759 = vector.broadcast %eq3A_758 : f32 to vector<128x128xf32>
    %eq3A_760 = arith.cmpf oeq, %slice3A_757, %eq3A_759 : vector<128x128xf32>
    %add3A_761 = arith.constant 6.144000e+03 : f32
    %add3A_762 = arith.addf %convert_element_type3A_87, %add3A_761 : f32
    %add3A_763 = vector.broadcast %add3A_762 : f32 to vector<1x128xf32>
    %add3A_764 = arith.addf %convert_element_type3A_84, %add3A_763 : vector<1x128xf32>
    %jit3A_765 = arith.constant 0x4C000000 : f32
    %broadcast_in_dim3A_766 = vector.shape_cast %add3A_764 : vector<1x128xf32> to vector<1x128xf32>
    %broadcast_in_dim3A_767 = vector.broadcast %broadcast_in_dim3A_766 : vector<1x128xf32> to vector<128x128xf32>
    %broadcast_in_dim3A_768 = vector.broadcast %jit3A_765 : f32 to vector<128x128xf32>
    %select_n3A_769 = arith.select %eq3A_760, %broadcast_in_dim3A_767, %broadcast_in_dim3A_768 : vector<128x128xi1>, vector<128x128xf32>
    %min3A_770 = arith.minimumf %min3A_756, %select_n3A_769 : vector<128x128xf32>
    %slice3A_771 = vector.extract_strided_slice %dot_general3A_83 {offsets = [0, 6272], sizes = [128, 128], strides = [1, 1]} : vector<128x12544xf32> to vector<128x128xf32>
    %eq3A_772 = arith.constant 0.000000e+00 : f32
    %eq3A_773 = vector.broadcast %eq3A_772 : f32 to vector<128x128xf32>
    %eq3A_774 = arith.cmpf oeq, %slice3A_771, %eq3A_773 : vector<128x128xf32>
    %add3A_775 = arith.constant 6.272000e+03 : f32
    %add3A_776 = arith.addf %convert_element_type3A_87, %add3A_775 : f32
    %add3A_777 = vector.broadcast %add3A_776 : f32 to vector<1x128xf32>
    %add3A_778 = arith.addf %convert_element_type3A_84, %add3A_777 : vector<1x128xf32>
    %jit3A_779 = arith.constant 0x4C000000 : f32
    %broadcast_in_dim3A_780 = vector.shape_cast %add3A_778 : vector<1x128xf32> to vector<1x128xf32>
    %broadcast_in_dim3A_781 = vector.broadcast %broadcast_in_dim3A_780 : vector<1x128xf32> to vector<128x128xf32>
    %broadcast_in_dim3A_782 = vector.broadcast %jit3A_779 : f32 to vector<128x128xf32>
    %select_n3A_783 = arith.select %eq3A_774, %broadcast_in_dim3A_781, %broadcast_in_dim3A_782 : vector<128x128xi1>, vector<128x128xf32>
    %min3A_784 = arith.minimumf %min3A_770, %select_n3A_783 : vector<128x128xf32>
    %slice3A_785 = vector.extract_strided_slice %dot_general3A_83 {offsets = [0, 6400], sizes = [128, 128], strides = [1, 1]} : vector<128x12544xf32> to vector<128x128xf32>
    %eq3A_786 = arith.constant 0.000000e+00 : f32
    %eq3A_787 = vector.broadcast %eq3A_786 : f32 to vector<128x128xf32>
    %eq3A_788 = arith.cmpf oeq, %slice3A_785, %eq3A_787 : vector<128x128xf32>
    %add3A_789 = arith.constant 6.400000e+03 : f32
    %add3A_790 = arith.addf %convert_element_type3A_87, %add3A_789 : f32
    %add3A_791 = vector.broadcast %add3A_790 : f32 to vector<1x128xf32>
    %add3A_792 = arith.addf %convert_element_type3A_84, %add3A_791 : vector<1x128xf32>
    %jit3A_793 = arith.constant 0x4C000000 : f32
    %broadcast_in_dim3A_794 = vector.shape_cast %add3A_792 : vector<1x128xf32> to vector<1x128xf32>
    %broadcast_in_dim3A_795 = vector.broadcast %broadcast_in_dim3A_794 : vector<1x128xf32> to vector<128x128xf32>
    %broadcast_in_dim3A_796 = vector.broadcast %jit3A_793 : f32 to vector<128x128xf32>
    %select_n3A_797 = arith.select %eq3A_788, %broadcast_in_dim3A_795, %broadcast_in_dim3A_796 : vector<128x128xi1>, vector<128x128xf32>
    %min3A_798 = arith.minimumf %min3A_784, %select_n3A_797 : vector<128x128xf32>
    %slice3A_799 = vector.extract_strided_slice %dot_general3A_83 {offsets = [0, 6528], sizes = [128, 128], strides = [1, 1]} : vector<128x12544xf32> to vector<128x128xf32>
    %eq3A_800 = arith.constant 0.000000e+00 : f32
    %eq3A_801 = vector.broadcast %eq3A_800 : f32 to vector<128x128xf32>
    %eq3A_802 = arith.cmpf oeq, %slice3A_799, %eq3A_801 : vector<128x128xf32>
    %add3A_803 = arith.constant 6.528000e+03 : f32
    %add3A_804 = arith.addf %convert_element_type3A_87, %add3A_803 : f32
    %add3A_805 = vector.broadcast %add3A_804 : f32 to vector<1x128xf32>
    %add3A_806 = arith.addf %convert_element_type3A_84, %add3A_805 : vector<1x128xf32>
    %jit3A_807 = arith.constant 0x4C000000 : f32
    %broadcast_in_dim3A_808 = vector.shape_cast %add3A_806 : vector<1x128xf32> to vector<1x128xf32>
    %broadcast_in_dim3A_809 = vector.broadcast %broadcast_in_dim3A_808 : vector<1x128xf32> to vector<128x128xf32>
    %broadcast_in_dim3A_810 = vector.broadcast %jit3A_807 : f32 to vector<128x128xf32>
    %select_n3A_811 = arith.select %eq3A_802, %broadcast_in_dim3A_809, %broadcast_in_dim3A_810 : vector<128x128xi1>, vector<128x128xf32>
    %min3A_812 = arith.minimumf %min3A_798, %select_n3A_811 : vector<128x128xf32>
    %slice3A_813 = vector.extract_strided_slice %dot_general3A_83 {offsets = [0, 6656], sizes = [128, 128], strides = [1, 1]} : vector<128x12544xf32> to vector<128x128xf32>
    %eq3A_814 = arith.constant 0.000000e+00 : f32
    %eq3A_815 = vector.broadcast %eq3A_814 : f32 to vector<128x128xf32>
    %eq3A_816 = arith.cmpf oeq, %slice3A_813, %eq3A_815 : vector<128x128xf32>
    %add3A_817 = arith.constant 6.656000e+03 : f32
    %add3A_818 = arith.addf %convert_element_type3A_87, %add3A_817 : f32
    %add3A_819 = vector.broadcast %add3A_818 : f32 to vector<1x128xf32>
    %add3A_820 = arith.addf %convert_element_type3A_84, %add3A_819 : vector<1x128xf32>
    %jit3A_821 = arith.constant 0x4C000000 : f32
    %broadcast_in_dim3A_822 = vector.shape_cast %add3A_820 : vector<1x128xf32> to vector<1x128xf32>
    %broadcast_in_dim3A_823 = vector.broadcast %broadcast_in_dim3A_822 : vector<1x128xf32> to vector<128x128xf32>
    %broadcast_in_dim3A_824 = vector.broadcast %jit3A_821 : f32 to vector<128x128xf32>
    %select_n3A_825 = arith.select %eq3A_816, %broadcast_in_dim3A_823, %broadcast_in_dim3A_824 : vector<128x128xi1>, vector<128x128xf32>
    %min3A_826 = arith.minimumf %min3A_812, %select_n3A_825 : vector<128x128xf32>
    %slice3A_827 = vector.extract_strided_slice %dot_general3A_83 {offsets = [0, 6784], sizes = [128, 128], strides = [1, 1]} : vector<128x12544xf32> to vector<128x128xf32>
    %eq3A_828 = arith.constant 0.000000e+00 : f32
    %eq3A_829 = vector.broadcast %eq3A_828 : f32 to vector<128x128xf32>
    %eq3A_830 = arith.cmpf oeq, %slice3A_827, %eq3A_829 : vector<128x128xf32>
    %add3A_831 = arith.constant 6.784000e+03 : f32
    %add3A_832 = arith.addf %convert_element_type3A_87, %add3A_831 : f32
    %add3A_833 = vector.broadcast %add3A_832 : f32 to vector<1x128xf32>
    %add3A_834 = arith.addf %convert_element_type3A_84, %add3A_833 : vector<1x128xf32>
    %jit3A_835 = arith.constant 0x4C000000 : f32
    %broadcast_in_dim3A_836 = vector.shape_cast %add3A_834 : vector<1x128xf32> to vector<1x128xf32>
    %broadcast_in_dim3A_837 = vector.broadcast %broadcast_in_dim3A_836 : vector<1x128xf32> to vector<128x128xf32>
    %broadcast_in_dim3A_838 = vector.broadcast %jit3A_835 : f32 to vector<128x128xf32>
    %select_n3A_839 = arith.select %eq3A_830, %broadcast_in_dim3A_837, %broadcast_in_dim3A_838 : vector<128x128xi1>, vector<128x128xf32>
    %min3A_840 = arith.minimumf %min3A_826, %select_n3A_839 : vector<128x128xf32>
    %slice3A_841 = vector.extract_strided_slice %dot_general3A_83 {offsets = [0, 6912], sizes = [128, 128], strides = [1, 1]} : vector<128x12544xf32> to vector<128x128xf32>
    %eq3A_842 = arith.constant 0.000000e+00 : f32
    %eq3A_843 = vector.broadcast %eq3A_842 : f32 to vector<128x128xf32>
    %eq3A_844 = arith.cmpf oeq, %slice3A_841, %eq3A_843 : vector<128x128xf32>
    %add3A_845 = arith.constant 6.912000e+03 : f32
    %add3A_846 = arith.addf %convert_element_type3A_87, %add3A_845 : f32
    %add3A_847 = vector.broadcast %add3A_846 : f32 to vector<1x128xf32>
    %add3A_848 = arith.addf %convert_element_type3A_84, %add3A_847 : vector<1x128xf32>
    %jit3A_849 = arith.constant 0x4C000000 : f32
    %broadcast_in_dim3A_850 = vector.shape_cast %add3A_848 : vector<1x128xf32> to vector<1x128xf32>
    %broadcast_in_dim3A_851 = vector.broadcast %broadcast_in_dim3A_850 : vector<1x128xf32> to vector<128x128xf32>
    %broadcast_in_dim3A_852 = vector.broadcast %jit3A_849 : f32 to vector<128x128xf32>
    %select_n3A_853 = arith.select %eq3A_844, %broadcast_in_dim3A_851, %broadcast_in_dim3A_852 : vector<128x128xi1>, vector<128x128xf32>
    %min3A_854 = arith.minimumf %min3A_840, %select_n3A_853 : vector<128x128xf32>
    %slice3A_855 = vector.extract_strided_slice %dot_general3A_83 {offsets = [0, 7040], sizes = [128, 128], strides = [1, 1]} : vector<128x12544xf32> to vector<128x128xf32>
    %eq3A_856 = arith.constant 0.000000e+00 : f32
    %eq3A_857 = vector.broadcast %eq3A_856 : f32 to vector<128x128xf32>
    %eq3A_858 = arith.cmpf oeq, %slice3A_855, %eq3A_857 : vector<128x128xf32>
    %add3A_859 = arith.constant 7.040000e+03 : f32
    %add3A_860 = arith.addf %convert_element_type3A_87, %add3A_859 : f32
    %add3A_861 = vector.broadcast %add3A_860 : f32 to vector<1x128xf32>
    %add3A_862 = arith.addf %convert_element_type3A_84, %add3A_861 : vector<1x128xf32>
    %jit3A_863 = arith.constant 0x4C000000 : f32
    %broadcast_in_dim3A_864 = vector.shape_cast %add3A_862 : vector<1x128xf32> to vector<1x128xf32>
    %broadcast_in_dim3A_865 = vector.broadcast %broadcast_in_dim3A_864 : vector<1x128xf32> to vector<128x128xf32>
    %broadcast_in_dim3A_866 = vector.broadcast %jit3A_863 : f32 to vector<128x128xf32>
    %select_n3A_867 = arith.select %eq3A_858, %broadcast_in_dim3A_865, %broadcast_in_dim3A_866 : vector<128x128xi1>, vector<128x128xf32>
    %min3A_868 = arith.minimumf %min3A_854, %select_n3A_867 : vector<128x128xf32>
    %slice3A_869 = vector.extract_strided_slice %dot_general3A_83 {offsets = [0, 7168], sizes = [128, 128], strides = [1, 1]} : vector<128x12544xf32> to vector<128x128xf32>
    %eq3A_870 = arith.constant 0.000000e+00 : f32
    %eq3A_871 = vector.broadcast %eq3A_870 : f32 to vector<128x128xf32>
    %eq3A_872 = arith.cmpf oeq, %slice3A_869, %eq3A_871 : vector<128x128xf32>
    %add3A_873 = arith.constant 7.168000e+03 : f32
    %add3A_874 = arith.addf %convert_element_type3A_87, %add3A_873 : f32
    %add3A_875 = vector.broadcast %add3A_874 : f32 to vector<1x128xf32>
    %add3A_876 = arith.addf %convert_element_type3A_84, %add3A_875 : vector<1x128xf32>
    %jit3A_877 = arith.constant 0x4C000000 : f32
    %broadcast_in_dim3A_878 = vector.shape_cast %add3A_876 : vector<1x128xf32> to vector<1x128xf32>
    %broadcast_in_dim3A_879 = vector.broadcast %broadcast_in_dim3A_878 : vector<1x128xf32> to vector<128x128xf32>
    %broadcast_in_dim3A_880 = vector.broadcast %jit3A_877 : f32 to vector<128x128xf32>
    %select_n3A_881 = arith.select %eq3A_872, %broadcast_in_dim3A_879, %broadcast_in_dim3A_880 : vector<128x128xi1>, vector<128x128xf32>
    %min3A_882 = arith.minimumf %min3A_868, %select_n3A_881 : vector<128x128xf32>
    %slice3A_883 = vector.extract_strided_slice %dot_general3A_83 {offsets = [0, 7296], sizes = [128, 128], strides = [1, 1]} : vector<128x12544xf32> to vector<128x128xf32>
    %eq3A_884 = arith.constant 0.000000e+00 : f32
    %eq3A_885 = vector.broadcast %eq3A_884 : f32 to vector<128x128xf32>
    %eq3A_886 = arith.cmpf oeq, %slice3A_883, %eq3A_885 : vector<128x128xf32>
    %add3A_887 = arith.constant 7.296000e+03 : f32
    %add3A_888 = arith.addf %convert_element_type3A_87, %add3A_887 : f32
    %add3A_889 = vector.broadcast %add3A_888 : f32 to vector<1x128xf32>
    %add3A_890 = arith.addf %convert_element_type3A_84, %add3A_889 : vector<1x128xf32>
    %jit3A_891 = arith.constant 0x4C000000 : f32
    %broadcast_in_dim3A_892 = vector.shape_cast %add3A_890 : vector<1x128xf32> to vector<1x128xf32>
    %broadcast_in_dim3A_893 = vector.broadcast %broadcast_in_dim3A_892 : vector<1x128xf32> to vector<128x128xf32>
    %broadcast_in_dim3A_894 = vector.broadcast %jit3A_891 : f32 to vector<128x128xf32>
    %select_n3A_895 = arith.select %eq3A_886, %broadcast_in_dim3A_893, %broadcast_in_dim3A_894 : vector<128x128xi1>, vector<128x128xf32>
    %min3A_896 = arith.minimumf %min3A_882, %select_n3A_895 : vector<128x128xf32>
    %slice3A_897 = vector.extract_strided_slice %dot_general3A_83 {offsets = [0, 7424], sizes = [128, 128], strides = [1, 1]} : vector<128x12544xf32> to vector<128x128xf32>
    %eq3A_898 = arith.constant 0.000000e+00 : f32
    %eq3A_899 = vector.broadcast %eq3A_898 : f32 to vector<128x128xf32>
    %eq3A_900 = arith.cmpf oeq, %slice3A_897, %eq3A_899 : vector<128x128xf32>
    %add3A_901 = arith.constant 7.424000e+03 : f32
    %add3A_902 = arith.addf %convert_element_type3A_87, %add3A_901 : f32
    %add3A_903 = vector.broadcast %add3A_902 : f32 to vector<1x128xf32>
    %add3A_904 = arith.addf %convert_element_type3A_84, %add3A_903 : vector<1x128xf32>
    %jit3A_905 = arith.constant 0x4C000000 : f32
    %broadcast_in_dim3A_906 = vector.shape_cast %add3A_904 : vector<1x128xf32> to vector<1x128xf32>
    %broadcast_in_dim3A_907 = vector.broadcast %broadcast_in_dim3A_906 : vector<1x128xf32> to vector<128x128xf32>
    %broadcast_in_dim3A_908 = vector.broadcast %jit3A_905 : f32 to vector<128x128xf32>
    %select_n3A_909 = arith.select %eq3A_900, %broadcast_in_dim3A_907, %broadcast_in_dim3A_908 : vector<128x128xi1>, vector<128x128xf32>
    %min3A_910 = arith.minimumf %min3A_896, %select_n3A_909 : vector<128x128xf32>
    %slice3A_911 = vector.extract_strided_slice %dot_general3A_83 {offsets = [0, 7552], sizes = [128, 128], strides = [1, 1]} : vector<128x12544xf32> to vector<128x128xf32>
    %eq3A_912 = arith.constant 0.000000e+00 : f32
    %eq3A_913 = vector.broadcast %eq3A_912 : f32 to vector<128x128xf32>
    %eq3A_914 = arith.cmpf oeq, %slice3A_911, %eq3A_913 : vector<128x128xf32>
    %add3A_915 = arith.constant 7.552000e+03 : f32
    %add3A_916 = arith.addf %convert_element_type3A_87, %add3A_915 : f32
    %add3A_917 = vector.broadcast %add3A_916 : f32 to vector<1x128xf32>
    %add3A_918 = arith.addf %convert_element_type3A_84, %add3A_917 : vector<1x128xf32>
    %jit3A_919 = arith.constant 0x4C000000 : f32
    %broadcast_in_dim3A_920 = vector.shape_cast %add3A_918 : vector<1x128xf32> to vector<1x128xf32>
    %broadcast_in_dim3A_921 = vector.broadcast %broadcast_in_dim3A_920 : vector<1x128xf32> to vector<128x128xf32>
    %broadcast_in_dim3A_922 = vector.broadcast %jit3A_919 : f32 to vector<128x128xf32>
    %select_n3A_923 = arith.select %eq3A_914, %broadcast_in_dim3A_921, %broadcast_in_dim3A_922 : vector<128x128xi1>, vector<128x128xf32>
    %min3A_924 = arith.minimumf %min3A_910, %select_n3A_923 : vector<128x128xf32>
    %slice3A_925 = vector.extract_strided_slice %dot_general3A_83 {offsets = [0, 7680], sizes = [128, 128], strides = [1, 1]} : vector<128x12544xf32> to vector<128x128xf32>
    %eq3A_926 = arith.constant 0.000000e+00 : f32
    %eq3A_927 = vector.broadcast %eq3A_926 : f32 to vector<128x128xf32>
    %eq3A_928 = arith.cmpf oeq, %slice3A_925, %eq3A_927 : vector<128x128xf32>
    %add3A_929 = arith.constant 7.680000e+03 : f32
    %add3A_930 = arith.addf %convert_element_type3A_87, %add3A_929 : f32
    %add3A_931 = vector.broadcast %add3A_930 : f32 to vector<1x128xf32>
    %add3A_932 = arith.addf %convert_element_type3A_84, %add3A_931 : vector<1x128xf32>
    %jit3A_933 = arith.constant 0x4C000000 : f32
    %broadcast_in_dim3A_934 = vector.shape_cast %add3A_932 : vector<1x128xf32> to vector<1x128xf32>
    %broadcast_in_dim3A_935 = vector.broadcast %broadcast_in_dim3A_934 : vector<1x128xf32> to vector<128x128xf32>
    %broadcast_in_dim3A_936 = vector.broadcast %jit3A_933 : f32 to vector<128x128xf32>
    %select_n3A_937 = arith.select %eq3A_928, %broadcast_in_dim3A_935, %broadcast_in_dim3A_936 : vector<128x128xi1>, vector<128x128xf32>
    %min3A_938 = arith.minimumf %min3A_924, %select_n3A_937 : vector<128x128xf32>
    %slice3A_939 = vector.extract_strided_slice %dot_general3A_83 {offsets = [0, 7808], sizes = [128, 128], strides = [1, 1]} : vector<128x12544xf32> to vector<128x128xf32>
    %eq3A_940 = arith.constant 0.000000e+00 : f32
    %eq3A_941 = vector.broadcast %eq3A_940 : f32 to vector<128x128xf32>
    %eq3A_942 = arith.cmpf oeq, %slice3A_939, %eq3A_941 : vector<128x128xf32>
    %add3A_943 = arith.constant 7.808000e+03 : f32
    %add3A_944 = arith.addf %convert_element_type3A_87, %add3A_943 : f32
    %add3A_945 = vector.broadcast %add3A_944 : f32 to vector<1x128xf32>
    %add3A_946 = arith.addf %convert_element_type3A_84, %add3A_945 : vector<1x128xf32>
    %jit3A_947 = arith.constant 0x4C000000 : f32
    %broadcast_in_dim3A_948 = vector.shape_cast %add3A_946 : vector<1x128xf32> to vector<1x128xf32>
    %broadcast_in_dim3A_949 = vector.broadcast %broadcast_in_dim3A_948 : vector<1x128xf32> to vector<128x128xf32>
    %broadcast_in_dim3A_950 = vector.broadcast %jit3A_947 : f32 to vector<128x128xf32>
    %select_n3A_951 = arith.select %eq3A_942, %broadcast_in_dim3A_949, %broadcast_in_dim3A_950 : vector<128x128xi1>, vector<128x128xf32>
    %min3A_952 = arith.minimumf %min3A_938, %select_n3A_951 : vector<128x128xf32>
    %slice3A_953 = vector.extract_strided_slice %dot_general3A_83 {offsets = [0, 7936], sizes = [128, 128], strides = [1, 1]} : vector<128x12544xf32> to vector<128x128xf32>
    %eq3A_954 = arith.constant 0.000000e+00 : f32
    %eq3A_955 = vector.broadcast %eq3A_954 : f32 to vector<128x128xf32>
    %eq3A_956 = arith.cmpf oeq, %slice3A_953, %eq3A_955 : vector<128x128xf32>
    %add3A_957 = arith.constant 7.936000e+03 : f32
    %add3A_958 = arith.addf %convert_element_type3A_87, %add3A_957 : f32
    %add3A_959 = vector.broadcast %add3A_958 : f32 to vector<1x128xf32>
    %add3A_960 = arith.addf %convert_element_type3A_84, %add3A_959 : vector<1x128xf32>
    %jit3A_961 = arith.constant 0x4C000000 : f32
    %broadcast_in_dim3A_962 = vector.shape_cast %add3A_960 : vector<1x128xf32> to vector<1x128xf32>
    %broadcast_in_dim3A_963 = vector.broadcast %broadcast_in_dim3A_962 : vector<1x128xf32> to vector<128x128xf32>
    %broadcast_in_dim3A_964 = vector.broadcast %jit3A_961 : f32 to vector<128x128xf32>
    %select_n3A_965 = arith.select %eq3A_956, %broadcast_in_dim3A_963, %broadcast_in_dim3A_964 : vector<128x128xi1>, vector<128x128xf32>
    %min3A_966 = arith.minimumf %min3A_952, %select_n3A_965 : vector<128x128xf32>
    %slice3A_967 = vector.extract_strided_slice %dot_general3A_83 {offsets = [0, 8064], sizes = [128, 128], strides = [1, 1]} : vector<128x12544xf32> to vector<128x128xf32>
    %eq3A_968 = arith.constant 0.000000e+00 : f32
    %eq3A_969 = vector.broadcast %eq3A_968 : f32 to vector<128x128xf32>
    %eq3A_970 = arith.cmpf oeq, %slice3A_967, %eq3A_969 : vector<128x128xf32>
    %add3A_971 = arith.constant 8.064000e+03 : f32
    %add3A_972 = arith.addf %convert_element_type3A_87, %add3A_971 : f32
    %add3A_973 = vector.broadcast %add3A_972 : f32 to vector<1x128xf32>
    %add3A_974 = arith.addf %convert_element_type3A_84, %add3A_973 : vector<1x128xf32>
    %jit3A_975 = arith.constant 0x4C000000 : f32
    %broadcast_in_dim3A_976 = vector.shape_cast %add3A_974 : vector<1x128xf32> to vector<1x128xf32>
    %broadcast_in_dim3A_977 = vector.broadcast %broadcast_in_dim3A_976 : vector<1x128xf32> to vector<128x128xf32>
    %broadcast_in_dim3A_978 = vector.broadcast %jit3A_975 : f32 to vector<128x128xf32>
    %select_n3A_979 = arith.select %eq3A_970, %broadcast_in_dim3A_977, %broadcast_in_dim3A_978 : vector<128x128xi1>, vector<128x128xf32>
    %min3A_980 = arith.minimumf %min3A_966, %select_n3A_979 : vector<128x128xf32>
    %slice3A_981 = vector.extract_strided_slice %dot_general3A_83 {offsets = [0, 8192], sizes = [128, 128], strides = [1, 1]} : vector<128x12544xf32> to vector<128x128xf32>
    %eq3A_982 = arith.constant 0.000000e+00 : f32
    %eq3A_983 = vector.broadcast %eq3A_982 : f32 to vector<128x128xf32>
    %eq3A_984 = arith.cmpf oeq, %slice3A_981, %eq3A_983 : vector<128x128xf32>
    %add3A_985 = arith.constant 8.192000e+03 : f32
    %add3A_986 = arith.addf %convert_element_type3A_87, %add3A_985 : f32
    %add3A_987 = vector.broadcast %add3A_986 : f32 to vector<1x128xf32>
    %add3A_988 = arith.addf %convert_element_type3A_84, %add3A_987 : vector<1x128xf32>
    %jit3A_989 = arith.constant 0x4C000000 : f32
    %broadcast_in_dim3A_990 = vector.shape_cast %add3A_988 : vector<1x128xf32> to vector<1x128xf32>
    %broadcast_in_dim3A_991 = vector.broadcast %broadcast_in_dim3A_990 : vector<1x128xf32> to vector<128x128xf32>
    %broadcast_in_dim3A_992 = vector.broadcast %jit3A_989 : f32 to vector<128x128xf32>
    %select_n3A_993 = arith.select %eq3A_984, %broadcast_in_dim3A_991, %broadcast_in_dim3A_992 : vector<128x128xi1>, vector<128x128xf32>
    %min3A_994 = arith.minimumf %min3A_980, %select_n3A_993 : vector<128x128xf32>
    %slice3A_995 = vector.extract_strided_slice %dot_general3A_83 {offsets = [0, 8320], sizes = [128, 128], strides = [1, 1]} : vector<128x12544xf32> to vector<128x128xf32>
    %eq3A_996 = arith.constant 0.000000e+00 : f32
    %eq3A_997 = vector.broadcast %eq3A_996 : f32 to vector<128x128xf32>
    %eq3A_998 = arith.cmpf oeq, %slice3A_995, %eq3A_997 : vector<128x128xf32>
    %add3A_999 = arith.constant 8.320000e+03 : f32
    %add3A_1000 = arith.addf %convert_element_type3A_87, %add3A_999 : f32
    %add3A_1001 = vector.broadcast %add3A_1000 : f32 to vector<1x128xf32>
    %add3A_1002 = arith.addf %convert_element_type3A_84, %add3A_1001 : vector<1x128xf32>
    %jit3A_1003 = arith.constant 0x4C000000 : f32
    %broadcast_in_dim3A_1004 = vector.shape_cast %add3A_1002 : vector<1x128xf32> to vector<1x128xf32>
    %broadcast_in_dim3A_1005 = vector.broadcast %broadcast_in_dim3A_1004 : vector<1x128xf32> to vector<128x128xf32>
    %broadcast_in_dim3A_1006 = vector.broadcast %jit3A_1003 : f32 to vector<128x128xf32>
    %select_n3A_1007 = arith.select %eq3A_998, %broadcast_in_dim3A_1005, %broadcast_in_dim3A_1006 : vector<128x128xi1>, vector<128x128xf32>
    %min3A_1008 = arith.minimumf %min3A_994, %select_n3A_1007 : vector<128x128xf32>
    %slice3A_1009 = vector.extract_strided_slice %dot_general3A_83 {offsets = [0, 8448], sizes = [128, 128], strides = [1, 1]} : vector<128x12544xf32> to vector<128x128xf32>
    %eq3A_1010 = arith.constant 0.000000e+00 : f32
    %eq3A_1011 = vector.broadcast %eq3A_1010 : f32 to vector<128x128xf32>
    %eq3A_1012 = arith.cmpf oeq, %slice3A_1009, %eq3A_1011 : vector<128x128xf32>
    %add3A_1013 = arith.constant 8.448000e+03 : f32
    %add3A_1014 = arith.addf %convert_element_type3A_87, %add3A_1013 : f32
    %add3A_1015 = vector.broadcast %add3A_1014 : f32 to vector<1x128xf32>
    %add3A_1016 = arith.addf %convert_element_type3A_84, %add3A_1015 : vector<1x128xf32>
    %jit3A_1017 = arith.constant 0x4C000000 : f32
    %broadcast_in_dim3A_1018 = vector.shape_cast %add3A_1016 : vector<1x128xf32> to vector<1x128xf32>
    %broadcast_in_dim3A_1019 = vector.broadcast %broadcast_in_dim3A_1018 : vector<1x128xf32> to vector<128x128xf32>
    %broadcast_in_dim3A_1020 = vector.broadcast %jit3A_1017 : f32 to vector<128x128xf32>
    %select_n3A_1021 = arith.select %eq3A_1012, %broadcast_in_dim3A_1019, %broadcast_in_dim3A_1020 : vector<128x128xi1>, vector<128x128xf32>
    %min3A_1022 = arith.minimumf %min3A_1008, %select_n3A_1021 : vector<128x128xf32>
    %slice3A_1023 = vector.extract_strided_slice %dot_general3A_83 {offsets = [0, 8576], sizes = [128, 128], strides = [1, 1]} : vector<128x12544xf32> to vector<128x128xf32>
    %eq3A_1024 = arith.constant 0.000000e+00 : f32
    %eq3A_1025 = vector.broadcast %eq3A_1024 : f32 to vector<128x128xf32>
    %eq3A_1026 = arith.cmpf oeq, %slice3A_1023, %eq3A_1025 : vector<128x128xf32>
    %add3A_1027 = arith.constant 8.576000e+03 : f32
    %add3A_1028 = arith.addf %convert_element_type3A_87, %add3A_1027 : f32
    %add3A_1029 = vector.broadcast %add3A_1028 : f32 to vector<1x128xf32>
    %add3A_1030 = arith.addf %convert_element_type3A_84, %add3A_1029 : vector<1x128xf32>
    %jit3A_1031 = arith.constant 0x4C000000 : f32
    %broadcast_in_dim3A_1032 = vector.shape_cast %add3A_1030 : vector<1x128xf32> to vector<1x128xf32>
    %broadcast_in_dim3A_1033 = vector.broadcast %broadcast_in_dim3A_1032 : vector<1x128xf32> to vector<128x128xf32>
    %broadcast_in_dim3A_1034 = vector.broadcast %jit3A_1031 : f32 to vector<128x128xf32>
    %select_n3A_1035 = arith.select %eq3A_1026, %broadcast_in_dim3A_1033, %broadcast_in_dim3A_1034 : vector<128x128xi1>, vector<128x128xf32>
    %min3A_1036 = arith.minimumf %min3A_1022, %select_n3A_1035 : vector<128x128xf32>
    %slice3A_1037 = vector.extract_strided_slice %dot_general3A_83 {offsets = [0, 8704], sizes = [128, 128], strides = [1, 1]} : vector<128x12544xf32> to vector<128x128xf32>
    %eq3A_1038 = arith.constant 0.000000e+00 : f32
    %eq3A_1039 = vector.broadcast %eq3A_1038 : f32 to vector<128x128xf32>
    %eq3A_1040 = arith.cmpf oeq, %slice3A_1037, %eq3A_1039 : vector<128x128xf32>
    %add3A_1041 = arith.constant 8.704000e+03 : f32
    %add3A_1042 = arith.addf %convert_element_type3A_87, %add3A_1041 : f32
    %add3A_1043 = vector.broadcast %add3A_1042 : f32 to vector<1x128xf32>
    %add3A_1044 = arith.addf %convert_element_type3A_84, %add3A_1043 : vector<1x128xf32>
    %jit3A_1045 = arith.constant 0x4C000000 : f32
    %broadcast_in_dim3A_1046 = vector.shape_cast %add3A_1044 : vector<1x128xf32> to vector<1x128xf32>
    %broadcast_in_dim3A_1047 = vector.broadcast %broadcast_in_dim3A_1046 : vector<1x128xf32> to vector<128x128xf32>
    %broadcast_in_dim3A_1048 = vector.broadcast %jit3A_1045 : f32 to vector<128x128xf32>
    %select_n3A_1049 = arith.select %eq3A_1040, %broadcast_in_dim3A_1047, %broadcast_in_dim3A_1048 : vector<128x128xi1>, vector<128x128xf32>
    %min3A_1050 = arith.minimumf %min3A_1036, %select_n3A_1049 : vector<128x128xf32>
    %slice3A_1051 = vector.extract_strided_slice %dot_general3A_83 {offsets = [0, 8832], sizes = [128, 128], strides = [1, 1]} : vector<128x12544xf32> to vector<128x128xf32>
    %eq3A_1052 = arith.constant 0.000000e+00 : f32
    %eq3A_1053 = vector.broadcast %eq3A_1052 : f32 to vector<128x128xf32>
    %eq3A_1054 = arith.cmpf oeq, %slice3A_1051, %eq3A_1053 : vector<128x128xf32>
    %add3A_1055 = arith.constant 8.832000e+03 : f32
    %add3A_1056 = arith.addf %convert_element_type3A_87, %add3A_1055 : f32
    %add3A_1057 = vector.broadcast %add3A_1056 : f32 to vector<1x128xf32>
    %add3A_1058 = arith.addf %convert_element_type3A_84, %add3A_1057 : vector<1x128xf32>
    %jit3A_1059 = arith.constant 0x4C000000 : f32
    %broadcast_in_dim3A_1060 = vector.shape_cast %add3A_1058 : vector<1x128xf32> to vector<1x128xf32>
    %broadcast_in_dim3A_1061 = vector.broadcast %broadcast_in_dim3A_1060 : vector<1x128xf32> to vector<128x128xf32>
    %broadcast_in_dim3A_1062 = vector.broadcast %jit3A_1059 : f32 to vector<128x128xf32>
    %select_n3A_1063 = arith.select %eq3A_1054, %broadcast_in_dim3A_1061, %broadcast_in_dim3A_1062 : vector<128x128xi1>, vector<128x128xf32>
    %min3A_1064 = arith.minimumf %min3A_1050, %select_n3A_1063 : vector<128x128xf32>
    %slice3A_1065 = vector.extract_strided_slice %dot_general3A_83 {offsets = [0, 8960], sizes = [128, 128], strides = [1, 1]} : vector<128x12544xf32> to vector<128x128xf32>
    %eq3A_1066 = arith.constant 0.000000e+00 : f32
    %eq3A_1067 = vector.broadcast %eq3A_1066 : f32 to vector<128x128xf32>
    %eq3A_1068 = arith.cmpf oeq, %slice3A_1065, %eq3A_1067 : vector<128x128xf32>
    %add3A_1069 = arith.constant 8.960000e+03 : f32
    %add3A_1070 = arith.addf %convert_element_type3A_87, %add3A_1069 : f32
    %add3A_1071 = vector.broadcast %add3A_1070 : f32 to vector<1x128xf32>
    %add3A_1072 = arith.addf %convert_element_type3A_84, %add3A_1071 : vector<1x128xf32>
    %jit3A_1073 = arith.constant 0x4C000000 : f32
    %broadcast_in_dim3A_1074 = vector.shape_cast %add3A_1072 : vector<1x128xf32> to vector<1x128xf32>
    %broadcast_in_dim3A_1075 = vector.broadcast %broadcast_in_dim3A_1074 : vector<1x128xf32> to vector<128x128xf32>
    %broadcast_in_dim3A_1076 = vector.broadcast %jit3A_1073 : f32 to vector<128x128xf32>
    %select_n3A_1077 = arith.select %eq3A_1068, %broadcast_in_dim3A_1075, %broadcast_in_dim3A_1076 : vector<128x128xi1>, vector<128x128xf32>
    %min3A_1078 = arith.minimumf %min3A_1064, %select_n3A_1077 : vector<128x128xf32>
    %slice3A_1079 = vector.extract_strided_slice %dot_general3A_83 {offsets = [0, 9088], sizes = [128, 128], strides = [1, 1]} : vector<128x12544xf32> to vector<128x128xf32>
    %eq3A_1080 = arith.constant 0.000000e+00 : f32
    %eq3A_1081 = vector.broadcast %eq3A_1080 : f32 to vector<128x128xf32>
    %eq3A_1082 = arith.cmpf oeq, %slice3A_1079, %eq3A_1081 : vector<128x128xf32>
    %add3A_1083 = arith.constant 9.088000e+03 : f32
    %add3A_1084 = arith.addf %convert_element_type3A_87, %add3A_1083 : f32
    %add3A_1085 = vector.broadcast %add3A_1084 : f32 to vector<1x128xf32>
    %add3A_1086 = arith.addf %convert_element_type3A_84, %add3A_1085 : vector<1x128xf32>
    %jit3A_1087 = arith.constant 0x4C000000 : f32
    %broadcast_in_dim3A_1088 = vector.shape_cast %add3A_1086 : vector<1x128xf32> to vector<1x128xf32>
    %broadcast_in_dim3A_1089 = vector.broadcast %broadcast_in_dim3A_1088 : vector<1x128xf32> to vector<128x128xf32>
    %broadcast_in_dim3A_1090 = vector.broadcast %jit3A_1087 : f32 to vector<128x128xf32>
    %select_n3A_1091 = arith.select %eq3A_1082, %broadcast_in_dim3A_1089, %broadcast_in_dim3A_1090 : vector<128x128xi1>, vector<128x128xf32>
    %min3A_1092 = arith.minimumf %min3A_1078, %select_n3A_1091 : vector<128x128xf32>
    %slice3A_1093 = vector.extract_strided_slice %dot_general3A_83 {offsets = [0, 9216], sizes = [128, 128], strides = [1, 1]} : vector<128x12544xf32> to vector<128x128xf32>
    %eq3A_1094 = arith.constant 0.000000e+00 : f32
    %eq3A_1095 = vector.broadcast %eq3A_1094 : f32 to vector<128x128xf32>
    %eq3A_1096 = arith.cmpf oeq, %slice3A_1093, %eq3A_1095 : vector<128x128xf32>
    %add3A_1097 = arith.constant 9.216000e+03 : f32
    %add3A_1098 = arith.addf %convert_element_type3A_87, %add3A_1097 : f32
    %add3A_1099 = vector.broadcast %add3A_1098 : f32 to vector<1x128xf32>
    %add3A_1100 = arith.addf %convert_element_type3A_84, %add3A_1099 : vector<1x128xf32>
    %jit3A_1101 = arith.constant 0x4C000000 : f32
    %broadcast_in_dim3A_1102 = vector.shape_cast %add3A_1100 : vector<1x128xf32> to vector<1x128xf32>
    %broadcast_in_dim3A_1103 = vector.broadcast %broadcast_in_dim3A_1102 : vector<1x128xf32> to vector<128x128xf32>
    %broadcast_in_dim3A_1104 = vector.broadcast %jit3A_1101 : f32 to vector<128x128xf32>
    %select_n3A_1105 = arith.select %eq3A_1096, %broadcast_in_dim3A_1103, %broadcast_in_dim3A_1104 : vector<128x128xi1>, vector<128x128xf32>
    %min3A_1106 = arith.minimumf %min3A_1092, %select_n3A_1105 : vector<128x128xf32>
    %slice3A_1107 = vector.extract_strided_slice %dot_general3A_83 {offsets = [0, 9344], sizes = [128, 128], strides = [1, 1]} : vector<128x12544xf32> to vector<128x128xf32>
    %eq3A_1108 = arith.constant 0.000000e+00 : f32
    %eq3A_1109 = vector.broadcast %eq3A_1108 : f32 to vector<128x128xf32>
    %eq3A_1110 = arith.cmpf oeq, %slice3A_1107, %eq3A_1109 : vector<128x128xf32>
    %add3A_1111 = arith.constant 9.344000e+03 : f32
    %add3A_1112 = arith.addf %convert_element_type3A_87, %add3A_1111 : f32
    %add3A_1113 = vector.broadcast %add3A_1112 : f32 to vector<1x128xf32>
    %add3A_1114 = arith.addf %convert_element_type3A_84, %add3A_1113 : vector<1x128xf32>
    %jit3A_1115 = arith.constant 0x4C000000 : f32
    %broadcast_in_dim3A_1116 = vector.shape_cast %add3A_1114 : vector<1x128xf32> to vector<1x128xf32>
    %broadcast_in_dim3A_1117 = vector.broadcast %broadcast_in_dim3A_1116 : vector<1x128xf32> to vector<128x128xf32>
    %broadcast_in_dim3A_1118 = vector.broadcast %jit3A_1115 : f32 to vector<128x128xf32>
    %select_n3A_1119 = arith.select %eq3A_1110, %broadcast_in_dim3A_1117, %broadcast_in_dim3A_1118 : vector<128x128xi1>, vector<128x128xf32>
    %min3A_1120 = arith.minimumf %min3A_1106, %select_n3A_1119 : vector<128x128xf32>
    %slice3A_1121 = vector.extract_strided_slice %dot_general3A_83 {offsets = [0, 9472], sizes = [128, 128], strides = [1, 1]} : vector<128x12544xf32> to vector<128x128xf32>
    %eq3A_1122 = arith.constant 0.000000e+00 : f32
    %eq3A_1123 = vector.broadcast %eq3A_1122 : f32 to vector<128x128xf32>
    %eq3A_1124 = arith.cmpf oeq, %slice3A_1121, %eq3A_1123 : vector<128x128xf32>
    %add3A_1125 = arith.constant 9.472000e+03 : f32
    %add3A_1126 = arith.addf %convert_element_type3A_87, %add3A_1125 : f32
    %add3A_1127 = vector.broadcast %add3A_1126 : f32 to vector<1x128xf32>
    %add3A_1128 = arith.addf %convert_element_type3A_84, %add3A_1127 : vector<1x128xf32>
    %jit3A_1129 = arith.constant 0x4C000000 : f32
    %broadcast_in_dim3A_1130 = vector.shape_cast %add3A_1128 : vector<1x128xf32> to vector<1x128xf32>
    %broadcast_in_dim3A_1131 = vector.broadcast %broadcast_in_dim3A_1130 : vector<1x128xf32> to vector<128x128xf32>
    %broadcast_in_dim3A_1132 = vector.broadcast %jit3A_1129 : f32 to vector<128x128xf32>
    %select_n3A_1133 = arith.select %eq3A_1124, %broadcast_in_dim3A_1131, %broadcast_in_dim3A_1132 : vector<128x128xi1>, vector<128x128xf32>
    %min3A_1134 = arith.minimumf %min3A_1120, %select_n3A_1133 : vector<128x128xf32>
    %slice3A_1135 = vector.extract_strided_slice %dot_general3A_83 {offsets = [0, 9600], sizes = [128, 128], strides = [1, 1]} : vector<128x12544xf32> to vector<128x128xf32>
    %eq3A_1136 = arith.constant 0.000000e+00 : f32
    %eq3A_1137 = vector.broadcast %eq3A_1136 : f32 to vector<128x128xf32>
    %eq3A_1138 = arith.cmpf oeq, %slice3A_1135, %eq3A_1137 : vector<128x128xf32>
    %add3A_1139 = arith.constant 9.600000e+03 : f32
    %add3A_1140 = arith.addf %convert_element_type3A_87, %add3A_1139 : f32
    %add3A_1141 = vector.broadcast %add3A_1140 : f32 to vector<1x128xf32>
    %add3A_1142 = arith.addf %convert_element_type3A_84, %add3A_1141 : vector<1x128xf32>
    %jit3A_1143 = arith.constant 0x4C000000 : f32
    %broadcast_in_dim3A_1144 = vector.shape_cast %add3A_1142 : vector<1x128xf32> to vector<1x128xf32>
    %broadcast_in_dim3A_1145 = vector.broadcast %broadcast_in_dim3A_1144 : vector<1x128xf32> to vector<128x128xf32>
    %broadcast_in_dim3A_1146 = vector.broadcast %jit3A_1143 : f32 to vector<128x128xf32>
    %select_n3A_1147 = arith.select %eq3A_1138, %broadcast_in_dim3A_1145, %broadcast_in_dim3A_1146 : vector<128x128xi1>, vector<128x128xf32>
    %min3A_1148 = arith.minimumf %min3A_1134, %select_n3A_1147 : vector<128x128xf32>
    %slice3A_1149 = vector.extract_strided_slice %dot_general3A_83 {offsets = [0, 9728], sizes = [128, 128], strides = [1, 1]} : vector<128x12544xf32> to vector<128x128xf32>
    %eq3A_1150 = arith.constant 0.000000e+00 : f32
    %eq3A_1151 = vector.broadcast %eq3A_1150 : f32 to vector<128x128xf32>
    %eq3A_1152 = arith.cmpf oeq, %slice3A_1149, %eq3A_1151 : vector<128x128xf32>
    %add3A_1153 = arith.constant 9.728000e+03 : f32
    %add3A_1154 = arith.addf %convert_element_type3A_87, %add3A_1153 : f32
    %add3A_1155 = vector.broadcast %add3A_1154 : f32 to vector<1x128xf32>
    %add3A_1156 = arith.addf %convert_element_type3A_84, %add3A_1155 : vector<1x128xf32>
    %jit3A_1157 = arith.constant 0x4C000000 : f32
    %broadcast_in_dim3A_1158 = vector.shape_cast %add3A_1156 : vector<1x128xf32> to vector<1x128xf32>
    %broadcast_in_dim3A_1159 = vector.broadcast %broadcast_in_dim3A_1158 : vector<1x128xf32> to vector<128x128xf32>
    %broadcast_in_dim3A_1160 = vector.broadcast %jit3A_1157 : f32 to vector<128x128xf32>
    %select_n3A_1161 = arith.select %eq3A_1152, %broadcast_in_dim3A_1159, %broadcast_in_dim3A_1160 : vector<128x128xi1>, vector<128x128xf32>
    %min3A_1162 = arith.minimumf %min3A_1148, %select_n3A_1161 : vector<128x128xf32>
    %slice3A_1163 = vector.extract_strided_slice %dot_general3A_83 {offsets = [0, 9856], sizes = [128, 128], strides = [1, 1]} : vector<128x12544xf32> to vector<128x128xf32>
    %eq3A_1164 = arith.constant 0.000000e+00 : f32
    %eq3A_1165 = vector.broadcast %eq3A_1164 : f32 to vector<128x128xf32>
    %eq3A_1166 = arith.cmpf oeq, %slice3A_1163, %eq3A_1165 : vector<128x128xf32>
    %add3A_1167 = arith.constant 9.856000e+03 : f32
    %add3A_1168 = arith.addf %convert_element_type3A_87, %add3A_1167 : f32
    %add3A_1169 = vector.broadcast %add3A_1168 : f32 to vector<1x128xf32>
    %add3A_1170 = arith.addf %convert_element_type3A_84, %add3A_1169 : vector<1x128xf32>
    %jit3A_1171 = arith.constant 0x4C000000 : f32
    %broadcast_in_dim3A_1172 = vector.shape_cast %add3A_1170 : vector<1x128xf32> to vector<1x128xf32>
    %broadcast_in_dim3A_1173 = vector.broadcast %broadcast_in_dim3A_1172 : vector<1x128xf32> to vector<128x128xf32>
    %broadcast_in_dim3A_1174 = vector.broadcast %jit3A_1171 : f32 to vector<128x128xf32>
    %select_n3A_1175 = arith.select %eq3A_1166, %broadcast_in_dim3A_1173, %broadcast_in_dim3A_1174 : vector<128x128xi1>, vector<128x128xf32>
    %min3A_1176 = arith.minimumf %min3A_1162, %select_n3A_1175 : vector<128x128xf32>
    %slice3A_1177 = vector.extract_strided_slice %dot_general3A_83 {offsets = [0, 9984], sizes = [128, 128], strides = [1, 1]} : vector<128x12544xf32> to vector<128x128xf32>
    %eq3A_1178 = arith.constant 0.000000e+00 : f32
    %eq3A_1179 = vector.broadcast %eq3A_1178 : f32 to vector<128x128xf32>
    %eq3A_1180 = arith.cmpf oeq, %slice3A_1177, %eq3A_1179 : vector<128x128xf32>
    %add3A_1181 = arith.constant 9.984000e+03 : f32
    %add3A_1182 = arith.addf %convert_element_type3A_87, %add3A_1181 : f32
    %add3A_1183 = vector.broadcast %add3A_1182 : f32 to vector<1x128xf32>
    %add3A_1184 = arith.addf %convert_element_type3A_84, %add3A_1183 : vector<1x128xf32>
    %jit3A_1185 = arith.constant 0x4C000000 : f32
    %broadcast_in_dim3A_1186 = vector.shape_cast %add3A_1184 : vector<1x128xf32> to vector<1x128xf32>
    %broadcast_in_dim3A_1187 = vector.broadcast %broadcast_in_dim3A_1186 : vector<1x128xf32> to vector<128x128xf32>
    %broadcast_in_dim3A_1188 = vector.broadcast %jit3A_1185 : f32 to vector<128x128xf32>
    %select_n3A_1189 = arith.select %eq3A_1180, %broadcast_in_dim3A_1187, %broadcast_in_dim3A_1188 : vector<128x128xi1>, vector<128x128xf32>
    %min3A_1190 = arith.minimumf %min3A_1176, %select_n3A_1189 : vector<128x128xf32>
    %slice3A_1191 = vector.extract_strided_slice %dot_general3A_83 {offsets = [0, 10112], sizes = [128, 128], strides = [1, 1]} : vector<128x12544xf32> to vector<128x128xf32>
    %eq3A_1192 = arith.constant 0.000000e+00 : f32
    %eq3A_1193 = vector.broadcast %eq3A_1192 : f32 to vector<128x128xf32>
    %eq3A_1194 = arith.cmpf oeq, %slice3A_1191, %eq3A_1193 : vector<128x128xf32>
    %add3A_1195 = arith.constant 1.011200e+04 : f32
    %add3A_1196 = arith.addf %convert_element_type3A_87, %add3A_1195 : f32
    %add3A_1197 = vector.broadcast %add3A_1196 : f32 to vector<1x128xf32>
    %add3A_1198 = arith.addf %convert_element_type3A_84, %add3A_1197 : vector<1x128xf32>
    %jit3A_1199 = arith.constant 0x4C000000 : f32
    %broadcast_in_dim3A_1200 = vector.shape_cast %add3A_1198 : vector<1x128xf32> to vector<1x128xf32>
    %broadcast_in_dim3A_1201 = vector.broadcast %broadcast_in_dim3A_1200 : vector<1x128xf32> to vector<128x128xf32>
    %broadcast_in_dim3A_1202 = vector.broadcast %jit3A_1199 : f32 to vector<128x128xf32>
    %select_n3A_1203 = arith.select %eq3A_1194, %broadcast_in_dim3A_1201, %broadcast_in_dim3A_1202 : vector<128x128xi1>, vector<128x128xf32>
    %min3A_1204 = arith.minimumf %min3A_1190, %select_n3A_1203 : vector<128x128xf32>
    %slice3A_1205 = vector.extract_strided_slice %dot_general3A_83 {offsets = [0, 10240], sizes = [128, 128], strides = [1, 1]} : vector<128x12544xf32> to vector<128x128xf32>
    %eq3A_1206 = arith.constant 0.000000e+00 : f32
    %eq3A_1207 = vector.broadcast %eq3A_1206 : f32 to vector<128x128xf32>
    %eq3A_1208 = arith.cmpf oeq, %slice3A_1205, %eq3A_1207 : vector<128x128xf32>
    %add3A_1209 = arith.constant 1.024000e+04 : f32
    %add3A_1210 = arith.addf %convert_element_type3A_87, %add3A_1209 : f32
    %add3A_1211 = vector.broadcast %add3A_1210 : f32 to vector<1x128xf32>
    %add3A_1212 = arith.addf %convert_element_type3A_84, %add3A_1211 : vector<1x128xf32>
    %jit3A_1213 = arith.constant 0x4C000000 : f32
    %broadcast_in_dim3A_1214 = vector.shape_cast %add3A_1212 : vector<1x128xf32> to vector<1x128xf32>
    %broadcast_in_dim3A_1215 = vector.broadcast %broadcast_in_dim3A_1214 : vector<1x128xf32> to vector<128x128xf32>
    %broadcast_in_dim3A_1216 = vector.broadcast %jit3A_1213 : f32 to vector<128x128xf32>
    %select_n3A_1217 = arith.select %eq3A_1208, %broadcast_in_dim3A_1215, %broadcast_in_dim3A_1216 : vector<128x128xi1>, vector<128x128xf32>
    %min3A_1218 = arith.minimumf %min3A_1204, %select_n3A_1217 : vector<128x128xf32>
    %slice3A_1219 = vector.extract_strided_slice %dot_general3A_83 {offsets = [0, 10368], sizes = [128, 128], strides = [1, 1]} : vector<128x12544xf32> to vector<128x128xf32>
    %eq3A_1220 = arith.constant 0.000000e+00 : f32
    %eq3A_1221 = vector.broadcast %eq3A_1220 : f32 to vector<128x128xf32>
    %eq3A_1222 = arith.cmpf oeq, %slice3A_1219, %eq3A_1221 : vector<128x128xf32>
    %add3A_1223 = arith.constant 1.036800e+04 : f32
    %add3A_1224 = arith.addf %convert_element_type3A_87, %add3A_1223 : f32
    %add3A_1225 = vector.broadcast %add3A_1224 : f32 to vector<1x128xf32>
    %add3A_1226 = arith.addf %convert_element_type3A_84, %add3A_1225 : vector<1x128xf32>
    %jit3A_1227 = arith.constant 0x4C000000 : f32
    %broadcast_in_dim3A_1228 = vector.shape_cast %add3A_1226 : vector<1x128xf32> to vector<1x128xf32>
    %broadcast_in_dim3A_1229 = vector.broadcast %broadcast_in_dim3A_1228 : vector<1x128xf32> to vector<128x128xf32>
    %broadcast_in_dim3A_1230 = vector.broadcast %jit3A_1227 : f32 to vector<128x128xf32>
    %select_n3A_1231 = arith.select %eq3A_1222, %broadcast_in_dim3A_1229, %broadcast_in_dim3A_1230 : vector<128x128xi1>, vector<128x128xf32>
    %min3A_1232 = arith.minimumf %min3A_1218, %select_n3A_1231 : vector<128x128xf32>
    %slice3A_1233 = vector.extract_strided_slice %dot_general3A_83 {offsets = [0, 10496], sizes = [128, 128], strides = [1, 1]} : vector<128x12544xf32> to vector<128x128xf32>
    %eq3A_1234 = arith.constant 0.000000e+00 : f32
    %eq3A_1235 = vector.broadcast %eq3A_1234 : f32 to vector<128x128xf32>
    %eq3A_1236 = arith.cmpf oeq, %slice3A_1233, %eq3A_1235 : vector<128x128xf32>
    %add3A_1237 = arith.constant 1.049600e+04 : f32
    %add3A_1238 = arith.addf %convert_element_type3A_87, %add3A_1237 : f32
    %add3A_1239 = vector.broadcast %add3A_1238 : f32 to vector<1x128xf32>
    %add3A_1240 = arith.addf %convert_element_type3A_84, %add3A_1239 : vector<1x128xf32>
    %jit3A_1241 = arith.constant 0x4C000000 : f32
    %broadcast_in_dim3A_1242 = vector.shape_cast %add3A_1240 : vector<1x128xf32> to vector<1x128xf32>
    %broadcast_in_dim3A_1243 = vector.broadcast %broadcast_in_dim3A_1242 : vector<1x128xf32> to vector<128x128xf32>
    %broadcast_in_dim3A_1244 = vector.broadcast %jit3A_1241 : f32 to vector<128x128xf32>
    %select_n3A_1245 = arith.select %eq3A_1236, %broadcast_in_dim3A_1243, %broadcast_in_dim3A_1244 : vector<128x128xi1>, vector<128x128xf32>
    %min3A_1246 = arith.minimumf %min3A_1232, %select_n3A_1245 : vector<128x128xf32>
    %slice3A_1247 = vector.extract_strided_slice %dot_general3A_83 {offsets = [0, 10624], sizes = [128, 128], strides = [1, 1]} : vector<128x12544xf32> to vector<128x128xf32>
    %eq3A_1248 = arith.constant 0.000000e+00 : f32
    %eq3A_1249 = vector.broadcast %eq3A_1248 : f32 to vector<128x128xf32>
    %eq3A_1250 = arith.cmpf oeq, %slice3A_1247, %eq3A_1249 : vector<128x128xf32>
    %add3A_1251 = arith.constant 1.062400e+04 : f32
    %add3A_1252 = arith.addf %convert_element_type3A_87, %add3A_1251 : f32
    %add3A_1253 = vector.broadcast %add3A_1252 : f32 to vector<1x128xf32>
    %add3A_1254 = arith.addf %convert_element_type3A_84, %add3A_1253 : vector<1x128xf32>
    %jit3A_1255 = arith.constant 0x4C000000 : f32
    %broadcast_in_dim3A_1256 = vector.shape_cast %add3A_1254 : vector<1x128xf32> to vector<1x128xf32>
    %broadcast_in_dim3A_1257 = vector.broadcast %broadcast_in_dim3A_1256 : vector<1x128xf32> to vector<128x128xf32>
    %broadcast_in_dim3A_1258 = vector.broadcast %jit3A_1255 : f32 to vector<128x128xf32>
    %select_n3A_1259 = arith.select %eq3A_1250, %broadcast_in_dim3A_1257, %broadcast_in_dim3A_1258 : vector<128x128xi1>, vector<128x128xf32>
    %min3A_1260 = arith.minimumf %min3A_1246, %select_n3A_1259 : vector<128x128xf32>
    %slice3A_1261 = vector.extract_strided_slice %dot_general3A_83 {offsets = [0, 10752], sizes = [128, 128], strides = [1, 1]} : vector<128x12544xf32> to vector<128x128xf32>
    %eq3A_1262 = arith.constant 0.000000e+00 : f32
    %eq3A_1263 = vector.broadcast %eq3A_1262 : f32 to vector<128x128xf32>
    %eq3A_1264 = arith.cmpf oeq, %slice3A_1261, %eq3A_1263 : vector<128x128xf32>
    %add3A_1265 = arith.constant 1.075200e+04 : f32
    %add3A_1266 = arith.addf %convert_element_type3A_87, %add3A_1265 : f32
    %add3A_1267 = vector.broadcast %add3A_1266 : f32 to vector<1x128xf32>
    %add3A_1268 = arith.addf %convert_element_type3A_84, %add3A_1267 : vector<1x128xf32>
    %jit3A_1269 = arith.constant 0x4C000000 : f32
    %broadcast_in_dim3A_1270 = vector.shape_cast %add3A_1268 : vector<1x128xf32> to vector<1x128xf32>
    %broadcast_in_dim3A_1271 = vector.broadcast %broadcast_in_dim3A_1270 : vector<1x128xf32> to vector<128x128xf32>
    %broadcast_in_dim3A_1272 = vector.broadcast %jit3A_1269 : f32 to vector<128x128xf32>
    %select_n3A_1273 = arith.select %eq3A_1264, %broadcast_in_dim3A_1271, %broadcast_in_dim3A_1272 : vector<128x128xi1>, vector<128x128xf32>
    %min3A_1274 = arith.minimumf %min3A_1260, %select_n3A_1273 : vector<128x128xf32>
    %slice3A_1275 = vector.extract_strided_slice %dot_general3A_83 {offsets = [0, 10880], sizes = [128, 128], strides = [1, 1]} : vector<128x12544xf32> to vector<128x128xf32>
    %eq3A_1276 = arith.constant 0.000000e+00 : f32
    %eq3A_1277 = vector.broadcast %eq3A_1276 : f32 to vector<128x128xf32>
    %eq3A_1278 = arith.cmpf oeq, %slice3A_1275, %eq3A_1277 : vector<128x128xf32>
    %add3A_1279 = arith.constant 1.088000e+04 : f32
    %add3A_1280 = arith.addf %convert_element_type3A_87, %add3A_1279 : f32
    %add3A_1281 = vector.broadcast %add3A_1280 : f32 to vector<1x128xf32>
    %add3A_1282 = arith.addf %convert_element_type3A_84, %add3A_1281 : vector<1x128xf32>
    %jit3A_1283 = arith.constant 0x4C000000 : f32
    %broadcast_in_dim3A_1284 = vector.shape_cast %add3A_1282 : vector<1x128xf32> to vector<1x128xf32>
    %broadcast_in_dim3A_1285 = vector.broadcast %broadcast_in_dim3A_1284 : vector<1x128xf32> to vector<128x128xf32>
    %broadcast_in_dim3A_1286 = vector.broadcast %jit3A_1283 : f32 to vector<128x128xf32>
    %select_n3A_1287 = arith.select %eq3A_1278, %broadcast_in_dim3A_1285, %broadcast_in_dim3A_1286 : vector<128x128xi1>, vector<128x128xf32>
    %min3A_1288 = arith.minimumf %min3A_1274, %select_n3A_1287 : vector<128x128xf32>
    %slice3A_1289 = vector.extract_strided_slice %dot_general3A_83 {offsets = [0, 11008], sizes = [128, 128], strides = [1, 1]} : vector<128x12544xf32> to vector<128x128xf32>
    %eq3A_1290 = arith.constant 0.000000e+00 : f32
    %eq3A_1291 = vector.broadcast %eq3A_1290 : f32 to vector<128x128xf32>
    %eq3A_1292 = arith.cmpf oeq, %slice3A_1289, %eq3A_1291 : vector<128x128xf32>
    %add3A_1293 = arith.constant 1.100800e+04 : f32
    %add3A_1294 = arith.addf %convert_element_type3A_87, %add3A_1293 : f32
    %add3A_1295 = vector.broadcast %add3A_1294 : f32 to vector<1x128xf32>
    %add3A_1296 = arith.addf %convert_element_type3A_84, %add3A_1295 : vector<1x128xf32>
    %jit3A_1297 = arith.constant 0x4C000000 : f32
    %broadcast_in_dim3A_1298 = vector.shape_cast %add3A_1296 : vector<1x128xf32> to vector<1x128xf32>
    %broadcast_in_dim3A_1299 = vector.broadcast %broadcast_in_dim3A_1298 : vector<1x128xf32> to vector<128x128xf32>
    %broadcast_in_dim3A_1300 = vector.broadcast %jit3A_1297 : f32 to vector<128x128xf32>
    %select_n3A_1301 = arith.select %eq3A_1292, %broadcast_in_dim3A_1299, %broadcast_in_dim3A_1300 : vector<128x128xi1>, vector<128x128xf32>
    %min3A_1302 = arith.minimumf %min3A_1288, %select_n3A_1301 : vector<128x128xf32>
    %slice3A_1303 = vector.extract_strided_slice %dot_general3A_83 {offsets = [0, 11136], sizes = [128, 128], strides = [1, 1]} : vector<128x12544xf32> to vector<128x128xf32>
    %eq3A_1304 = arith.constant 0.000000e+00 : f32
    %eq3A_1305 = vector.broadcast %eq3A_1304 : f32 to vector<128x128xf32>
    %eq3A_1306 = arith.cmpf oeq, %slice3A_1303, %eq3A_1305 : vector<128x128xf32>
    %add3A_1307 = arith.constant 1.113600e+04 : f32
    %add3A_1308 = arith.addf %convert_element_type3A_87, %add3A_1307 : f32
    %add3A_1309 = vector.broadcast %add3A_1308 : f32 to vector<1x128xf32>
    %add3A_1310 = arith.addf %convert_element_type3A_84, %add3A_1309 : vector<1x128xf32>
    %jit3A_1311 = arith.constant 0x4C000000 : f32
    %broadcast_in_dim3A_1312 = vector.shape_cast %add3A_1310 : vector<1x128xf32> to vector<1x128xf32>
    %broadcast_in_dim3A_1313 = vector.broadcast %broadcast_in_dim3A_1312 : vector<1x128xf32> to vector<128x128xf32>
    %broadcast_in_dim3A_1314 = vector.broadcast %jit3A_1311 : f32 to vector<128x128xf32>
    %select_n3A_1315 = arith.select %eq3A_1306, %broadcast_in_dim3A_1313, %broadcast_in_dim3A_1314 : vector<128x128xi1>, vector<128x128xf32>
    %min3A_1316 = arith.minimumf %min3A_1302, %select_n3A_1315 : vector<128x128xf32>
    %slice3A_1317 = vector.extract_strided_slice %dot_general3A_83 {offsets = [0, 11264], sizes = [128, 128], strides = [1, 1]} : vector<128x12544xf32> to vector<128x128xf32>
    %eq3A_1318 = arith.constant 0.000000e+00 : f32
    %eq3A_1319 = vector.broadcast %eq3A_1318 : f32 to vector<128x128xf32>
    %eq3A_1320 = arith.cmpf oeq, %slice3A_1317, %eq3A_1319 : vector<128x128xf32>
    %add3A_1321 = arith.constant 1.126400e+04 : f32
    %add3A_1322 = arith.addf %convert_element_type3A_87, %add3A_1321 : f32
    %add3A_1323 = vector.broadcast %add3A_1322 : f32 to vector<1x128xf32>
    %add3A_1324 = arith.addf %convert_element_type3A_84, %add3A_1323 : vector<1x128xf32>
    %jit3A_1325 = arith.constant 0x4C000000 : f32
    %broadcast_in_dim3A_1326 = vector.shape_cast %add3A_1324 : vector<1x128xf32> to vector<1x128xf32>
    %broadcast_in_dim3A_1327 = vector.broadcast %broadcast_in_dim3A_1326 : vector<1x128xf32> to vector<128x128xf32>
    %broadcast_in_dim3A_1328 = vector.broadcast %jit3A_1325 : f32 to vector<128x128xf32>
    %select_n3A_1329 = arith.select %eq3A_1320, %broadcast_in_dim3A_1327, %broadcast_in_dim3A_1328 : vector<128x128xi1>, vector<128x128xf32>
    %min3A_1330 = arith.minimumf %min3A_1316, %select_n3A_1329 : vector<128x128xf32>
    %slice3A_1331 = vector.extract_strided_slice %dot_general3A_83 {offsets = [0, 11392], sizes = [128, 128], strides = [1, 1]} : vector<128x12544xf32> to vector<128x128xf32>
    %eq3A_1332 = arith.constant 0.000000e+00 : f32
    %eq3A_1333 = vector.broadcast %eq3A_1332 : f32 to vector<128x128xf32>
    %eq3A_1334 = arith.cmpf oeq, %slice3A_1331, %eq3A_1333 : vector<128x128xf32>
    %add3A_1335 = arith.constant 1.139200e+04 : f32
    %add3A_1336 = arith.addf %convert_element_type3A_87, %add3A_1335 : f32
    %add3A_1337 = vector.broadcast %add3A_1336 : f32 to vector<1x128xf32>
    %add3A_1338 = arith.addf %convert_element_type3A_84, %add3A_1337 : vector<1x128xf32>
    %jit3A_1339 = arith.constant 0x4C000000 : f32
    %broadcast_in_dim3A_1340 = vector.shape_cast %add3A_1338 : vector<1x128xf32> to vector<1x128xf32>
    %broadcast_in_dim3A_1341 = vector.broadcast %broadcast_in_dim3A_1340 : vector<1x128xf32> to vector<128x128xf32>
    %broadcast_in_dim3A_1342 = vector.broadcast %jit3A_1339 : f32 to vector<128x128xf32>
    %select_n3A_1343 = arith.select %eq3A_1334, %broadcast_in_dim3A_1341, %broadcast_in_dim3A_1342 : vector<128x128xi1>, vector<128x128xf32>
    %min3A_1344 = arith.minimumf %min3A_1330, %select_n3A_1343 : vector<128x128xf32>
    %slice3A_1345 = vector.extract_strided_slice %dot_general3A_83 {offsets = [0, 11520], sizes = [128, 128], strides = [1, 1]} : vector<128x12544xf32> to vector<128x128xf32>
    %eq3A_1346 = arith.constant 0.000000e+00 : f32
    %eq3A_1347 = vector.broadcast %eq3A_1346 : f32 to vector<128x128xf32>
    %eq3A_1348 = arith.cmpf oeq, %slice3A_1345, %eq3A_1347 : vector<128x128xf32>
    %add3A_1349 = arith.constant 1.152000e+04 : f32
    %add3A_1350 = arith.addf %convert_element_type3A_87, %add3A_1349 : f32
    %add3A_1351 = vector.broadcast %add3A_1350 : f32 to vector<1x128xf32>
    %add3A_1352 = arith.addf %convert_element_type3A_84, %add3A_1351 : vector<1x128xf32>
    %jit3A_1353 = arith.constant 0x4C000000 : f32
    %broadcast_in_dim3A_1354 = vector.shape_cast %add3A_1352 : vector<1x128xf32> to vector<1x128xf32>
    %broadcast_in_dim3A_1355 = vector.broadcast %broadcast_in_dim3A_1354 : vector<1x128xf32> to vector<128x128xf32>
    %broadcast_in_dim3A_1356 = vector.broadcast %jit3A_1353 : f32 to vector<128x128xf32>
    %select_n3A_1357 = arith.select %eq3A_1348, %broadcast_in_dim3A_1355, %broadcast_in_dim3A_1356 : vector<128x128xi1>, vector<128x128xf32>
    %min3A_1358 = arith.minimumf %min3A_1344, %select_n3A_1357 : vector<128x128xf32>
    %slice3A_1359 = vector.extract_strided_slice %dot_general3A_83 {offsets = [0, 11648], sizes = [128, 128], strides = [1, 1]} : vector<128x12544xf32> to vector<128x128xf32>
    %eq3A_1360 = arith.constant 0.000000e+00 : f32
    %eq3A_1361 = vector.broadcast %eq3A_1360 : f32 to vector<128x128xf32>
    %eq3A_1362 = arith.cmpf oeq, %slice3A_1359, %eq3A_1361 : vector<128x128xf32>
    %add3A_1363 = arith.constant 1.164800e+04 : f32
    %add3A_1364 = arith.addf %convert_element_type3A_87, %add3A_1363 : f32
    %add3A_1365 = vector.broadcast %add3A_1364 : f32 to vector<1x128xf32>
    %add3A_1366 = arith.addf %convert_element_type3A_84, %add3A_1365 : vector<1x128xf32>
    %jit3A_1367 = arith.constant 0x4C000000 : f32
    %broadcast_in_dim3A_1368 = vector.shape_cast %add3A_1366 : vector<1x128xf32> to vector<1x128xf32>
    %broadcast_in_dim3A_1369 = vector.broadcast %broadcast_in_dim3A_1368 : vector<1x128xf32> to vector<128x128xf32>
    %broadcast_in_dim3A_1370 = vector.broadcast %jit3A_1367 : f32 to vector<128x128xf32>
    %select_n3A_1371 = arith.select %eq3A_1362, %broadcast_in_dim3A_1369, %broadcast_in_dim3A_1370 : vector<128x128xi1>, vector<128x128xf32>
    %min3A_1372 = arith.minimumf %min3A_1358, %select_n3A_1371 : vector<128x128xf32>
    %slice3A_1373 = vector.extract_strided_slice %dot_general3A_83 {offsets = [0, 11776], sizes = [128, 128], strides = [1, 1]} : vector<128x12544xf32> to vector<128x128xf32>
    %eq3A_1374 = arith.constant 0.000000e+00 : f32
    %eq3A_1375 = vector.broadcast %eq3A_1374 : f32 to vector<128x128xf32>
    %eq3A_1376 = arith.cmpf oeq, %slice3A_1373, %eq3A_1375 : vector<128x128xf32>
    %add3A_1377 = arith.constant 1.177600e+04 : f32
    %add3A_1378 = arith.addf %convert_element_type3A_87, %add3A_1377 : f32
    %add3A_1379 = vector.broadcast %add3A_1378 : f32 to vector<1x128xf32>
    %add3A_1380 = arith.addf %convert_element_type3A_84, %add3A_1379 : vector<1x128xf32>
    %jit3A_1381 = arith.constant 0x4C000000 : f32
    %broadcast_in_dim3A_1382 = vector.shape_cast %add3A_1380 : vector<1x128xf32> to vector<1x128xf32>
    %broadcast_in_dim3A_1383 = vector.broadcast %broadcast_in_dim3A_1382 : vector<1x128xf32> to vector<128x128xf32>
    %broadcast_in_dim3A_1384 = vector.broadcast %jit3A_1381 : f32 to vector<128x128xf32>
    %select_n3A_1385 = arith.select %eq3A_1376, %broadcast_in_dim3A_1383, %broadcast_in_dim3A_1384 : vector<128x128xi1>, vector<128x128xf32>
    %min3A_1386 = arith.minimumf %min3A_1372, %select_n3A_1385 : vector<128x128xf32>
    %slice3A_1387 = vector.extract_strided_slice %dot_general3A_83 {offsets = [0, 11904], sizes = [128, 128], strides = [1, 1]} : vector<128x12544xf32> to vector<128x128xf32>
    %eq3A_1388 = arith.constant 0.000000e+00 : f32
    %eq3A_1389 = vector.broadcast %eq3A_1388 : f32 to vector<128x128xf32>
    %eq3A_1390 = arith.cmpf oeq, %slice3A_1387, %eq3A_1389 : vector<128x128xf32>
    %add3A_1391 = arith.constant 1.190400e+04 : f32
    %add3A_1392 = arith.addf %convert_element_type3A_87, %add3A_1391 : f32
    %add3A_1393 = vector.broadcast %add3A_1392 : f32 to vector<1x128xf32>
    %add3A_1394 = arith.addf %convert_element_type3A_84, %add3A_1393 : vector<1x128xf32>
    %jit3A_1395 = arith.constant 0x4C000000 : f32
    %broadcast_in_dim3A_1396 = vector.shape_cast %add3A_1394 : vector<1x128xf32> to vector<1x128xf32>
    %broadcast_in_dim3A_1397 = vector.broadcast %broadcast_in_dim3A_1396 : vector<1x128xf32> to vector<128x128xf32>
    %broadcast_in_dim3A_1398 = vector.broadcast %jit3A_1395 : f32 to vector<128x128xf32>
    %select_n3A_1399 = arith.select %eq3A_1390, %broadcast_in_dim3A_1397, %broadcast_in_dim3A_1398 : vector<128x128xi1>, vector<128x128xf32>
    %min3A_1400 = arith.minimumf %min3A_1386, %select_n3A_1399 : vector<128x128xf32>
    %slice3A_1401 = vector.extract_strided_slice %dot_general3A_83 {offsets = [0, 12032], sizes = [128, 128], strides = [1, 1]} : vector<128x12544xf32> to vector<128x128xf32>
    %eq3A_1402 = arith.constant 0.000000e+00 : f32
    %eq3A_1403 = vector.broadcast %eq3A_1402 : f32 to vector<128x128xf32>
    %eq3A_1404 = arith.cmpf oeq, %slice3A_1401, %eq3A_1403 : vector<128x128xf32>
    %add3A_1405 = arith.constant 1.203200e+04 : f32
    %add3A_1406 = arith.addf %convert_element_type3A_87, %add3A_1405 : f32
    %add3A_1407 = vector.broadcast %add3A_1406 : f32 to vector<1x128xf32>
    %add3A_1408 = arith.addf %convert_element_type3A_84, %add3A_1407 : vector<1x128xf32>
    %jit3A_1409 = arith.constant 0x4C000000 : f32
    %broadcast_in_dim3A_1410 = vector.shape_cast %add3A_1408 : vector<1x128xf32> to vector<1x128xf32>
    %broadcast_in_dim3A_1411 = vector.broadcast %broadcast_in_dim3A_1410 : vector<1x128xf32> to vector<128x128xf32>
    %broadcast_in_dim3A_1412 = vector.broadcast %jit3A_1409 : f32 to vector<128x128xf32>
    %select_n3A_1413 = arith.select %eq3A_1404, %broadcast_in_dim3A_1411, %broadcast_in_dim3A_1412 : vector<128x128xi1>, vector<128x128xf32>
    %min3A_1414 = arith.minimumf %min3A_1400, %select_n3A_1413 : vector<128x128xf32>
    %slice3A_1415 = vector.extract_strided_slice %dot_general3A_83 {offsets = [0, 12160], sizes = [128, 128], strides = [1, 1]} : vector<128x12544xf32> to vector<128x128xf32>
    %eq3A_1416 = arith.constant 0.000000e+00 : f32
    %eq3A_1417 = vector.broadcast %eq3A_1416 : f32 to vector<128x128xf32>
    %eq3A_1418 = arith.cmpf oeq, %slice3A_1415, %eq3A_1417 : vector<128x128xf32>
    %add3A_1419 = arith.constant 1.216000e+04 : f32
    %add3A_1420 = arith.addf %convert_element_type3A_87, %add3A_1419 : f32
    %add3A_1421 = vector.broadcast %add3A_1420 : f32 to vector<1x128xf32>
    %add3A_1422 = arith.addf %convert_element_type3A_84, %add3A_1421 : vector<1x128xf32>
    %jit3A_1423 = arith.constant 0x4C000000 : f32
    %broadcast_in_dim3A_1424 = vector.shape_cast %add3A_1422 : vector<1x128xf32> to vector<1x128xf32>
    %broadcast_in_dim3A_1425 = vector.broadcast %broadcast_in_dim3A_1424 : vector<1x128xf32> to vector<128x128xf32>
    %broadcast_in_dim3A_1426 = vector.broadcast %jit3A_1423 : f32 to vector<128x128xf32>
    %select_n3A_1427 = arith.select %eq3A_1418, %broadcast_in_dim3A_1425, %broadcast_in_dim3A_1426 : vector<128x128xi1>, vector<128x128xf32>
    %min3A_1428 = arith.minimumf %min3A_1414, %select_n3A_1427 : vector<128x128xf32>
    %slice3A_1429 = vector.extract_strided_slice %dot_general3A_83 {offsets = [0, 12288], sizes = [128, 128], strides = [1, 1]} : vector<128x12544xf32> to vector<128x128xf32>
    %eq3A_1430 = arith.constant 0.000000e+00 : f32
    %eq3A_1431 = vector.broadcast %eq3A_1430 : f32 to vector<128x128xf32>
    %eq3A_1432 = arith.cmpf oeq, %slice3A_1429, %eq3A_1431 : vector<128x128xf32>
    %add3A_1433 = arith.constant 1.228800e+04 : f32
    %add3A_1434 = arith.addf %convert_element_type3A_87, %add3A_1433 : f32
    %add3A_1435 = vector.broadcast %add3A_1434 : f32 to vector<1x128xf32>
    %add3A_1436 = arith.addf %convert_element_type3A_84, %add3A_1435 : vector<1x128xf32>
    %jit3A_1437 = arith.constant 0x4C000000 : f32
    %broadcast_in_dim3A_1438 = vector.shape_cast %add3A_1436 : vector<1x128xf32> to vector<1x128xf32>
    %broadcast_in_dim3A_1439 = vector.broadcast %broadcast_in_dim3A_1438 : vector<1x128xf32> to vector<128x128xf32>
    %broadcast_in_dim3A_1440 = vector.broadcast %jit3A_1437 : f32 to vector<128x128xf32>
    %select_n3A_1441 = arith.select %eq3A_1432, %broadcast_in_dim3A_1439, %broadcast_in_dim3A_1440 : vector<128x128xi1>, vector<128x128xf32>
    %min3A_1442 = arith.minimumf %min3A_1428, %select_n3A_1441 : vector<128x128xf32>
    %slice3A_1443 = vector.extract_strided_slice %dot_general3A_83 {offsets = [0, 12416], sizes = [128, 128], strides = [1, 1]} : vector<128x12544xf32> to vector<128x128xf32>
    %eq3A_1444 = arith.constant 0.000000e+00 : f32
    %eq3A_1445 = vector.broadcast %eq3A_1444 : f32 to vector<128x128xf32>
    %eq3A_1446 = arith.cmpf oeq, %slice3A_1443, %eq3A_1445 : vector<128x128xf32>
    %add3A_1447 = arith.constant 1.241600e+04 : f32
    %add3A_1448 = arith.addf %convert_element_type3A_87, %add3A_1447 : f32
    %add3A_1449 = vector.broadcast %add3A_1448 : f32 to vector<1x128xf32>
    %add3A_1450 = arith.addf %convert_element_type3A_84, %add3A_1449 : vector<1x128xf32>
    %jit3A_1451 = arith.constant 0x4C000000 : f32
    %broadcast_in_dim3A_1452 = vector.shape_cast %add3A_1450 : vector<1x128xf32> to vector<1x128xf32>
    %broadcast_in_dim3A_1453 = vector.broadcast %broadcast_in_dim3A_1452 : vector<1x128xf32> to vector<128x128xf32>
    %broadcast_in_dim3A_1454 = vector.broadcast %jit3A_1451 : f32 to vector<128x128xf32>
    %select_n3A_1455 = arith.select %eq3A_1446, %broadcast_in_dim3A_1453, %broadcast_in_dim3A_1454 : vector<128x128xi1>, vector<128x128xf32>
    %min3A_1456 = arith.minimumf %min3A_1442, %select_n3A_1455 : vector<128x128xf32>
    %eq3A_1457 = arith.constant 0 : i32
    %eq3A_1458 = arith.cmpi eq, %arg0, %eq3A_1457 : i32
    %convert_element_type3A_1459 = arith.extui %eq3A_1458 : i1 to i32
    %cond3A_1460 = arith.constant 0 : i32
    %cond3A_1461 = arith.cmpi ne, %convert_element_type3A_1459, %cond3A_1460 : i32
    scf.if %cond3A_1461 {
      %swap3A = arith.constant 0 : index
      %swap3A_1471 = arith.constant 0 : index
      %swap3A_1472 = vector.load %arg4[%swap3A, %swap3A_1471] : memref<128x128xf32, #tpu.memory_space<vmem>>, vector<128x128xf32>
      tpu.vector_store %arg4[%swap3A, %swap3A_1471], %min3A_1456 {strides = array<i32>} : memref<128x128xf32, #tpu.memory_space<vmem>>, vector<128x128xf32>,
    } else {
    }
    %gt3A = arith.constant 0 : i32
    %gt3A_1462 = arith.cmpi sgt, %arg0, %gt3A : i32
    %convert_element_type3A_1463 = arith.extui %gt3A_1462 : i1 to i32
    %cond3A_1464 = arith.constant 0 : i32
    %cond3A_1465 = arith.cmpi ne, %convert_element_type3A_1463, %cond3A_1464 : i32
    scf.if %cond3A_1465 {
      %get3A_1471 = arith.constant 0 : index
      %get3A_1472 = arith.constant 0 : index
      %get3A_1473 = vector.load %arg4[%get3A_1471, %get3A_1472] : memref<128x128xf32, #tpu.memory_space<vmem>>, vector<128x128xf32>
      %min3A_1474 = arith.minimumf %get3A_1473, %min3A_1456 : vector<128x128xf32>
      %swap3A = arith.constant 0 : index
      %swap3A_1475 = arith.constant 0 : index
      %swap3A_1476 = vector.load %arg4[%swap3A, %swap3A_1475] : memref<128x128xf32, #tpu.memory_space<vmem>>, vector<128x128xf32>
      tpu.vector_store %arg4[%swap3A, %swap3A_1475], %min3A_1474 {strides = array<i32>} : memref<128x128xf32, #tpu.memory_space<vmem>>, vector<128x128xf32>,
    } else {
    }
    %eq3A_1466 = arith.constant 7 : i32
    %eq3A_1467 = arith.cmpi eq, %arg0, %eq3A_1466 : i32
    %convert_element_type3A_1468 = arith.extui %eq3A_1467 : i1 to i32
    %cond3A_1469 = arith.constant 0 : i32
    %cond3A_1470 = arith.cmpi ne, %convert_element_type3A_1468, %cond3A_1469 : i32
    scf.if %cond3A_1470 {
      %get3A_1471 = arith.constant 0 : index
      %get3A_1472 = arith.constant 0 : index
      %get3A_1473 = vector.load %arg4[%get3A_1471, %get3A_1472] : memref<128x128xf32, #tpu.memory_space<vmem>>, vector<128x128xf32>
      %reduce_min3A = arith.constant dense<0x7F800000> : vector<128xf32>
      %reduce_min3A_1474 = vector.multi_reduction <minimumf>, %get3A_1473, %reduce_min3A [1] : vector<128x128xf32> to vector<128xf32>
      %lt3A = arith.constant 1.000000e+05 : f32
      %lt3A_1475 = vector.broadcast %lt3A : f32 to vector<128xf32>
      %lt3A_1476 = arith.cmpf olt, %reduce_min3A_1474, %lt3A_1475 : vector<128xf32>
      %jit3A_1477 = arith.constant 0.000000e+00 : f32
      %broadcast_in_dim3A_1478 = vector.broadcast %jit3A_1477 : f32 to vector<128xf32>
      %select_n3A_1479 = arith.select %lt3A_1476, %reduce_min3A_1474, %broadcast_in_dim3A_1478 : vector<128xi1>, vector<128xf32>
      %convert_element_type3A_1480 = arith.fptosi %select_n3A_1479 : vector<128xf32> to vector<128xi32>
      %broadcast_in_dim3A_1481 = vector.shape_cast %convert_element_type3A_1480 : vector<128xi32> to vector<1x128xi32>
      %broadcast_in_dim3A_1482 = vector.shape_cast %broadcast_in_dim3A_1481 : vector<1x128xi32> to vector<1x128xi32>
      %broadcast_in_dim3A_1483 = vector.broadcast %broadcast_in_dim3A_1482 : vector<1x128xi32> to vector<8x128xi32>
      %swap3A = arith.constant 0 : index
      %swap3A_1484 = arith.constant 0 : index
      %swap3A_1485 = vector.load %arg3[%swap3A, %swap3A_1484] : memref<8x128xi32, #tpu.memory_space<vmem>>, vector<8x128xi32>
      tpu.vector_store %arg3[%swap3A, %swap3A_1484], %broadcast_in_dim3A_1483 {strides = array<i32>} : memref<8x128xi32, #tpu.memory_space<vmem>>, vector<8x128xi32>,
    } else {
    }
    return
  }
  func.func @transform_0(%arg0: i32) -> (i32, i32) {
    %c0_i32 = arith.constant 0 : i32
    %c0_i32_0 = arith.constant 0 : i32
    return %c0_i32, %arg0 : i32, i32
  }
  func.func @transform_1(%arg0: i32) -> (i32, i32) {
    %c0_i32 = arith.constant 0 : i32
    %c0_i32_0 = arith.constant 0 : i32
    %c0_i32_1 = arith.constant 0 : i32
    return %c0_i32, %c0_i32_0 : i32, i32
  }
  func.func @transform_2(%arg0: i32) -> (i32, i32) {
    %c0_i32 = arith.constant 0 : i32
    %c0_i32_0 = arith.constant 0 : i32
    %c0_i32_1 = arith.constant 0 : i32
    return %c0_i32, %c0_i32_0 : i32, i32
  }
}

</mosaic_0001>

<sc_bundles>
// kernel: kernel.4.cloned.1.call-start
scs
__scs_entry_jumppad:
0x0: {  	(pc) =	sbr.rel $0x88, $3  }
0x1: {  	(tag) =	ssettag $0x0;
	lr =	simm.s32 $0x1  }
0x2: {  	[smem:$0x3F9E] =	sst lr;
	_ =	strace $0xD0000000  }
0x3: {  	_ = 	snop  }
0x4: {  	_ = 	snop  }
0x5: {  	_ = 	snop  }
0x6: {  	_ = 	snop  }
0x7: {  	_ = 	snop  }
__scs_overlays_trampoline_lowered:
0x8: {  	[smem:$0x3FAD] =	sst s0  }
0x9: {  	[smem:$0x3FAE] =	sst s1  }
0xa: {  	[smem:$0x3FAF] =	sst s2  }
0xb: {  	[smem:$0x3FB0] =	sst s3  }
0xc: {  	[smem:$0x3FB1] =	sst s4  }
0xd: {  	[smem:$0x3FB2] =	sst s5  }
0xe: {  	[smem:$0x3FB3] =	sst s6  }
0xf: {  	[smem:$0x3FB4] =	sst s7  }
0x10: {  	[smem:$0x3FB5] =	sst s8  }
0x11: {  	[smem:$0x3FB6] =	sst s9;
	s0 =	simm.s32 @!p0 $0x0  }
0x12: {  	s1 =	sld [smem:$0x3F9C];
	s0 =	simm.s32 @p0 $0x1  }
0x13: {  	[smem:$0x3FB7] =	sst s0;
	s0 =	simm.s32 @!p1 $0x0  }
0x14: {  	s2 =	sld [smem:$0x3F9B];
	s0 =	simm.s32 @p1 $0x1  }
0x15: {  	[smem:$0x3FB8] =	sst s0;
	s0 =	simm.s32 @!p2 $0x0  }
0x16: {  	s3 =	sld [smem:$0x3FDB];
	s0 =	simm.s32 @p2 $0x1  }
0x17: {  	s4 =	simm.s32 $0x1BF5;
	[smem:$0x3FBA] =	sst s0  }
0x18: {  	s0 =	sld [smem:$0x3F9D];
	_ =	swait.ge [sflag:s4], $0x0  }
0x19: {  	s7 =	sld [smem:$0x3F9E]  }
0x1a: {  	s8 =	sadd.s32 $0xFFFFE003, lr  }
0x1b: {  	s9 =	sadd.s32 $0xFFFFFEF7, lr;
	s5 =	simm.s32 $0xFFFFFFFF;
	p2 =	slt.u32 s8, $0xFFFFF086  }
0x1c: {  	p1 =	slt.u32 s9, $0xF7A;
	s5 =	simm.s32 @!p2 $0x0  }
0x1d: {  	s5 =	simm.s32 @p1 $0x1;
	p0 =	seq.s32 s7, s2  }
0x1e: {  	s7 =	smul.u32 @!p0 $0xF7A, s2;
	p2 =	seq.s32 @!p0 s5, $0x0  }
0x1f: {  	s9 =	smul.u32 $0xF7A, s1;
	s8 =	simm.s32 @!p0 $0x1BF5;
	p2 =	por !p2, p0  }
0x20: {  	[sflag:s8] =	ssyncset.s32 @!p0 $0xFFFFF086;
	s6 =	sadd.s32 @!p0 s3, s7;
	s7 =	simm.s32 @!p0 $0x108  }
0x21: {  	s3 =	sadd.s32 s3, s9;
	s6 =	sadd.s32 @!p0 $0x88, s6;
	s7 =	simm.s32 @p2 $0x1082  }
0x22: {  	[simem:s7], [sflag:s8] =	dma.local @!p0 [hbm:s6], $0xF7A  }
0x23: {  	s9 =	sor.u32 $0xD0000000, s2;
	s6 =	simm.s32 $0x108;
	_ =	swait.ge @!p0 [sflag:s8], $0x0  }
0x24: {  	s3 =	sadd.s32 $0x88, s3;
	s6 =	simm.s32 @!p1 $0x1082;
	[sflag:s4] =	ssyncset.s32 $0xFFFFF086  }
0x25: {  	[simem:s6], [sflag:s4] =	dma.local [hbm:s3], $0xF7A  }
0x26: {  	[smem:$0x3F9E] =	sst s1;
	(tag) =	ssettag s2;
	_ =	strace s9  }
0x27: {  	s1 =	sld [smem:$0x3FAE]  }
0x28: {  	s2 =	sld [smem:$0x3FAF]  }
0x29: {  	s4 =	sld [smem:$0x3FB1]  }
0x2a: {  	p0 =	seq.s32 s5, $0x0;
	s5 =	sld [smem:$0x3FB2]  }
0x2b: {  	s6 =	sld [smem:$0x3FB3]  }
0x2c: {  	s7 =	sld [smem:$0x3FB4]  }
0x2d: {  	s3 =	simm.s32 $0x108;
	s8 =	sld [smem:$0x3FB5]  }
0x2e: {  	s3 =	simm.s32 @!p0 $0x1082;
	s9 =	sld [smem:$0x3FB6]  }
0x2f: {  	lr =	sadd.s32 s0, s3;
	s0 =	sld [smem:$0x3FAD]  }
0x30: {  	s3 =	sld [smem:$0x3FB0]  }
0x31: {  	[smem:$0x3FB9] =	sst s10  }
0x32: {  	s10 =	sld [smem:$0x3FB7];
	_ =	sdelay $0x3  }
0x33: {  	p0 =	seq.s32 s10, $0x1;
	s10 =	sld [smem:$0x3FB9];
	_ =	sdelay $0x3  }
0x34: {  	[smem:$0x3FB9] =	sst s10  }
0x35: {  	s10 =	sld [smem:$0x3FB8];
	_ =	sdelay $0x3  }
0x36: {  	p1 =	seq.s32 s10, $0x1;
	s10 =	sld [smem:$0x3FB9];
	_ =	sdelay $0x3  }
0x37: {  	[smem:$0x3FB9] =	sst s10  }
0x38: {  	s10 =	sld [smem:$0x3FBA]  }
0x39: {  	_ = 	snop;
	(pc) =	sbr.ind lr, $3  }
0x3a: {  	_ = 	snop  }
0x3b: {  	_ = 	snop  }
0x3c: {  	p2 =	seq.s32 s10, $0x1;
	s10 =	sld [smem:$0x3FB9]  }
0x3d: {  	_ =	shalt  }
0x3e: {  	_ =	shalt  }
0x3f: {  	_ =	shalt  }
0x40: {  	_ =	shalt  }
0x41: {  	_ =	shalt  }
0x42: {  	_ =	shalt  }
0x43: {  	_ =	shalt  }
0x44: {  	_ =	shalt  }
0x45: {  	_ =	shalt  }
0x46: {  	_ =	shalt  }
0x47: {  	_ =	shalt  }
0x48: {  	_ =	shalt  }
0x49: {  	_ =	shalt  }
0x4a: {  	_ =	shalt  }
0x4b: {  	_ =	shalt  }
0x4c: {  	_ =	shalt  }
0x4d: {  	_ =	shalt  }
0x4e: {  	_ =	shalt  }
0x4f: {  	_ =	shalt  }
0x50: {  	_ =	shalt  }
0x51: {  	_ =	shalt  }
0x52: {  	_ =	shalt  }
0x53: {  	_ =	shalt  }
0x54: {  	_ =	shalt  }
0x55: {  	_ =	shalt  }
0x56: {  	_ =	shalt  }
0x57: {  	_ =	shalt  }
0x58: {  	_ =	shalt  }
0x59: {  	_ =	shalt  }
0x5a: {  	_ =	shalt  }
0x5b: {  	_ =	shalt  }
0x5c: {  	_ =	shalt  }
0x5d: {  	_ =	shalt  }
0x5e: {  	_ =	shalt  }
0x5f: {  	_ =	shalt  }
0x60: {  	_ =	shalt  }
0x61: {  	_ =	shalt  }
0x62: {  	_ =	shalt  }
0x63: {  	_ =	shalt  }
0x64: {  	_ =	shalt  }
0x65: {  	_ =	shalt  }
0x66: {  	_ =	shalt  }
0x67: {  	_ =	shalt  }
0x68: {  	_ =	shalt  }
0x69: {  	_ =	shalt  }
0x6a: {  	_ =	shalt  }
0x6b: {  	_ =	shalt  }
0x6c: {  	_ =	shalt  }
0x6d: {  	_ =	shalt  }
0x6e: {  	_ =	shalt  }
0x6f: {  	_ =	shalt  }
0x70: {  	_ =	shalt  }
0x71: {  	_ =	shalt  }
0x72: {  	_ =	shalt  }
0x73: {  	_ =	shalt  }
0x74: {  	_ =	shalt  }
0x75: {  	_ =	shalt  }
0x76: {  	_ =	shalt  }
0x77: {  	_ =	shalt  }
0x78: {  	_ =	shalt  }
0x79: {  	_ =	shalt  }
0x7a: {  	_ =	shalt  }
0x7b: {  	_ =	shalt  }
0x7c: {  	_ =	shalt  }
0x7d: {  	_ =	shalt  }
0x7e: {  	_ =	shalt  }
0x7f: {  	_ =	shalt  }
0x80: {  	_ =	shalt  }
0x81: {  	_ =	shalt  }
0x82: {  	_ =	shalt  }
0x83: {  	_ =	shalt  }
0x84: {  	_ =	shalt  }
0x85: {  	_ =	shalt  }
0x86: {  	_ =	shalt  }
0x87: {  	_ =	shalt  }
.Lfunc_end0:
.L_simem_size_0:
called_computation_lowered:
.L_overlay_start_0:
0x88: {  	s2 =	sld [smem:$0x3FD9]  }
0x89: {  	s3 =	sld [smem:$0x3FFE];
	_ =	sdelay $0x1  }
0x8a: {  	s1 =	srdreg.scid  }
0x8b: {  	s0 =	sand.u32 $0x1, s1  }
0x8c: {  	s17 =	sshll.u32 s0, $0xA;
	s2 =	sadd.s32 s3, s2  }
0x8d: {  	s2 =	sadd.s32 s2, s17  }
0x8e: {  	[smem:$0x3FC5] =	sst s2  }
0x8f: {  	_ = 	snop  }
0x90: {  	s2 =	sld [smem:$0x3FD0];
	(tm) =	ssettm $0x1  }
0x91: {  	s18 =	sld [smem:$0x3FFB];
	_ =	sdelay $0x3  }
0x92: {  	_ =	strace s18  }
0x93: {  	s3 =	sld [smem:$0x3FFC];
	_ =	sdelay $0x3  }
0x94: {  	_ =	strace s3  }
0x95: {  	s3 =	sld [smem:$0x3FFD];
	_ =	sdelay $0x3  }
0x96: {  	_ =	strace s3  }
0x97: {  	_ =	strace $0x8FFFFFFF  }
0x98: {  	s19 =	sld [smem:$0x3FDB];
	_ =	sdelay $0x1  }
0x99: {  	s4 =	simm.s32 $_scs_section_size  }
0x9a: {  	s5 =	simm.s32 $_size__tile_overlayer_lowered;
	s6 =	simm.s32 $_tile_overlayer_lowered  }
0x9b: {  	s22 =	simm.s32 $0x1BFF;
	s21 =	sshll.u32 s6, $0x1;
	s3 =	sadd.s32 s4, s19  }
0x9c: {  	s7 =	simm.s32 $0x0;
	s20 =	sshll.u32 s5, $0x1;
	s5 =	sadd.s32 s21, s3  }
0x9d: {  	[timem:s7], [sflag:s22] =	dma.local [hbm:s5], s20  }
0x9e: {  	_ =	swait.ge [sflag:s22], s20  }
0x9f: {  	s4 =	ssub.s32 $0x0, s20;
	[sflag:s22] =	ssyncset.done $0x0  }
0xa0: {  	[sflag:s22] =	ssyncadd.s32 s4;
	_ =	sdelay $0x1  }
0xa1: {  	s23 =	simm.s32 $0x1B8B  }
0xa2: {  	_ =	swait.ge [sflag:s23], $0x1  }
0xa3: {  	[sflag:s23] =	ssyncset.done $0x0  }
0xa4: {  	s25 =	simm.s32 $0x1B8E;
	s24 =	sld [smem:$0x3FFE];
	[sflag:s23] =	ssyncadd.s32 $0xFFFFFFFF  }
0xa5: {  	s26 =	simm.s32 $execute0_lowered;
	[smem:$0x3FD2] =	sst s25  }
0xa6: {  	s5 =	sshll.u32 s26, $0x1;
	_ =	strace $0x80000046;
	[dreg:$0x1] =	wrdreg $0xFFFFFFFF  }
0xa7: {  	s28 =	simm.s32 $_size_execute0_lowered;
	s3 =	sadd.s32 s3, s5;
	[dreg:$0x0] =	wrdreg $0x0  }
0xa8: {  	s5 =	sshll.u32 s28, $0x1;
	[dreg:$0x2] =	wrdreg s3  }
0xa9: {  	[dreg:$0x3] =	wrdreg s5  }
0xaa: {  	[dreg:$0x4] =	wrdreg $0xC0  }
0xab: {  	_ =	task [dreg:s7], $0x5FFFF  }
0xac: {  	[dreg:$0x1] =	wrdreg $0xFFFFFFFF  }
0xad: {  	[dreg:$0x0] =	wrdreg $0x60  }
0xae: {  	[dreg:$0x2] =	wrdreg s24  }
0xaf: {  	[dreg:$0x3] =	wrdreg s2  }
0xb0: {  	[dreg:$0x4] =	wrdreg $0x9  }
0xb1: {  	_ =	task.clear_ibuf [dreg:s7], $0x5FFFF;
	_ =	strace $0x90000046  }
0xb2: {  	s29 =	simm.s32 $0x9;
	_ =	strace $0x80000048  }
0xb3: {  	_ =	swait.ge [sflag:s29], $0x1  }
0xb4: {  	[sflag:s29] =	ssyncadd.s32 $0xFFFFFFFF  }
0xb5: {  	_ =	strace $0x90000048  }
0xb6: {  	_ =	sfence  }
0xb7: {  	s30 =	sld [smem:$0x0];
	_ =	sdelay $0x2  }
0xb8: {  	s31 =	sshll.u32 s1, $0xD;
	s1 =	sshrl.u32 s1, $0x2  }
0xb9: {  	s3 =	sand.u32 $0x4000, s31;
	s1 =	sadd.s32 s1, s30  }
0xba: {  	s0 =	sor.u32 s3, s0;
	s1 =	sshll.u32 s1, $0x11  }
0xbb: {  	s0 =	sor.u32 s1, s0  }
0xbc: {  	s0 =	sadd.s32 $0x8F2B, s0  }
0xbd: {  	[sflag:s0] =	ssyncadd.remote.s32 $0x1  }
0xbe: {  	_ =	sfence.sel $0xFFFF  }
0xbf: {  	[dreg:$0x0] =	wrdreg $0xFFFFFFFF;
	(pc) =	sbr.abs _section_cstart, $3  }
0xc0: {  	[dreg:$0x1] =	wrdreg $0xFFFFFFFF  }
0xc1: {  	_ =	task.clear_ibuf [dreg:s7], $0x2FFFF;
	_ =	strace $0x9FFFFFFF  }
0xc2: {  	(tm) =	ssettm $0x7FFFFFFF  }
0xc3: {  	_ =	shalt  }
tec
execute0_lowered:
.L_overlay_start_1:
0x0: {  	(tag) =	ssettag $0x1  }
0x1: {  	s1 =	stileid.u32  }
0x2: {  	p0 =	sgt.u32 s1, $0x7  }
.Ltmp0:
0x3: {  	_ = 	snop;
	(pc) =	sbr.rel @p0 .LBB2_4-.Ltmp0, $4  }
0x4: {  	s5 =	rddreg [dreg:$0x0]  }
0x5: {  	s10 =	rddreg [dreg:$0x1];
	s2 =	simm.s32 $0x0  }
0x6: {  	[smem:$0x7FF] =	sst s2  }
0x7: {  	s0 =	rddreg [dreg:$0x2];
	_ =	strace $0x80000047  }
0x8: {  	s3 =	srdreg.scid  }
0x9: {  	s30 =	sshll.u32 s1, $0x1;
	s6 =	sand.u32 $0x1, s3  }
0xa: {  	s4 =	sadd.s32 $0x1000, s5;
	v1 =	vlaneseq.u32;
	s11 =	sor.u32 s6, s30  }
0xb: {  	s3 =	simm.s32 $0x2;
	v0 =	vshrl.u32 v1, $0x1;
	s4 =	sadd.s32 s4, s11  }
0xc: {  	[tilespmem:s2], [sflag:$0x2] =	stream.linear.gather [hbm4b:s4+s2], $0x8, $0x38;
	[tilespmem:$0x28] =	vst v63  }
0xd: {  	_ =	swait.ge [sflag:s3], $0x8  }
0xe: {  	[sflag:s3] =	ssyncset.done $0x0  }
0xf: {  	[sflag:s3] =	ssyncadd.s32 $0xFFFFFFF8  }
0x10: {  	v2 =	vld.idx.msk [tilespmem:v0+s2+$0x0], $0xffff;
	_ =	sdelay $0x3  }
0x11: {  	s12 =	ssub.s32 $0x2, s6  }
0x12: {  	s5 =	sadd.s32 $0x187A00, s5;
	v1 =	vand.u32 $0x1, v1;
	s13 =	sshrl.u32 s12, $0x1;
	v2 =	vshll.u32 v2, $0x1  }
0x13: {  	s7 =	simm.s32 $0x8;
	s8 =	simm.s32 $0x18;
	s12 =	ssub.s32 s12, s13;
	v2 =	vor.u32 v1, v2  }
0x14: {  	s9 =	simm.s32 $0x1;
	s6 =	simm.s32 $0x10;
	s31 =	smax.u32 s12, $0x1;
	[tilespmem:$0x8] =	vst v2  }
0x15: {  	[tilespmem:s8], [sflag:$0x1] =	stream.indirect.gather [hbm4b:s5+s6], $0x1, s7, s6, $0xb8;
	[tilespmem:$0x28] =	vst v63  }
0x16: {  	p0 =	sne.s32 s31, $0x1;
	_ =	swait.ge [sflag:s9], $0x10  }
.Ltmp1:
0x17: {  	s11 =	sshll.u32 s11, $0x1;
	[sflag:s9] =	ssyncset.done $0x0;
	(pc) =	sbr.rel @!p0 .LBB2_3-.Ltmp1, $4  }
0x18: {  	s10 =	sadd.s32 s10, s11;
	[sflag:s9] =	ssyncadd.s32 $0xFFFFFFF0  }
0x19: {  	[hbm4b:s10+s2] =	stream.linear.scatter [tilespmem:s8], [sflag:$0x2], $0x10, $0x38;
	[tilespmem:$0x28] =	vst v63  }
0x1a: {  	_ =	swait.ge [sflag:s3], $0x10  }
0x1b: {  	s11 =	sadd.s32 $0xFFFFFFFF, s31;
	[sflag:s3] =	ssyncset.done $0x0  }
.LBB2_2:
0x1c: {  	p0 =	sne.s32 s11, $0x1;
	s11 =	sadd.s32 $0xFFFFFFFF, s11;
	[sflag:s3] =	ssyncadd.s32 $0xFFFFFFF0  }
0x1d: {  	[tilespmem:s2], [sflag:$0x2] =	stream.linear.gather [hbm4b:s4+s2], $0x8, $0x38;
	[tilespmem:$0x28] =	vst v63  }
0x1e: {  	_ =	swait.ge [sflag:s3], $0x8  }
0x1f: {  	[sflag:s3] =	ssyncset.done $0x0  }
0x20: {  	[sflag:s3] =	ssyncadd.s32 $0xFFFFFFF8  }
0x21: {  	v2 =	vld.idx.msk [tilespmem:v0+s2+$0x0], $0xffff;
	_ =	sdelay $0x5  }
0x22: {  	v2 =	vshll.u32 v2, $0x1  }
0x23: {  	v2 =	vor.u32 v1, v2  }
0x24: {  	[tilespmem:$0x8] =	vst v2  }
0x25: {  	[tilespmem:s8], [sflag:$0x1] =	stream.indirect.gather [hbm4b:s5+s6], $0x1, s7, s6, $0xb8;
	[tilespmem:$0x28] =	vst v63  }
0x26: {  	_ =	swait.ge [sflag:s9], $0x10  }
.Ltmp2:
0x27: {  	[sflag:s9] =	ssyncset.done $0x0;
	(pc) =	sbr.rel @p0 .LBB2_2-.Ltmp2, $4  }
0x28: {  	[sflag:s9] =	ssyncadd.s32 $0xFFFFFFF0  }
0x29: {  	[hbm4b:s10+s2] =	stream.linear.scatter [tilespmem:s8], [sflag:$0x2], $0x10, $0x38;
	[tilespmem:$0x28] =	vst v63  }
0x2a: {  	_ =	swait.ge [sflag:s3], $0x10  }
0x2b: {  	[sflag:s3] =	ssyncset.done $0x0  }
.LBB2_3:
0x2c: {  	[sflag:s3] =	ssyncadd.s32 $0xFFFFFFF0  }
.LBB2_4:
0x2d: {  	_ =	sfence.sel $0x180000  }
0x2e: {  	[bflag:$0x0] =	sbarrier.arrive $0xFFFF  }
0x2f: {  	p0 =	sne.s32 s1, $0x0;
	_ =	strace $0x90000047  }
0x30: {  	s0 =	sadd.s32 @!p0 $0x100000, s0;
	[bflag:$0x2] =	sbarrier.arrive $0xFFFF  }
0x31: {  	[sflag:s0] =	ssyncadd.tile.s32 @!p0 $0x1;
	_ =	shalt  }
.Lfunc_end2:
_tile_overlayer_lowered:
.L_overlay_start_2:
0x32: {  	(tag) =	ssettag $0x2  }
0x33: {  	s0 =	rddreg [dreg:$0x0];
	s2 =	stileid.u32  }
0x34: {  	s1 =	rddreg [dreg:$0x1];
	p0 =	sne.s32 s2, $0x0  }
0x35: {  	s3 =	rddreg [dreg:$0x2];
	[bflag:$0x3] =	sbarrier.arrive $0xFFFF;
	s2 =	simm.s32 @!p0 $0x1C02  }
0x36: {  	[timem:s3], [sflag:s2] =	dma.local @!p0 [hbm:s0], s1  }
0x37: {  	s0 =	simm.s32 @!p0 $0x2  }
0x38: {  	_ =	swait.ge @!p0 [sflag:s0], s1  }
0x39: {  	s1 =	ssub.s32 @!p0 $0x0, s1;
	[sflag:s0] =	ssyncset.done @!p0 $0x0  }
0x3a: {  	[sflag:s0] =	ssyncadd.s32 @!p0 s1  }
0x3b: {  	[bflag:$0x3] =	sbarrier.arrive $0xFFFF  }
0x3c: {  	_ =	shalt  }

</sc_bundles>
